<compile_context>
chip_gen: v7x
topology: tpu7x:2x2x1
jax: 0.10.2.dev20260603
libtpu: 0.0.44.dev20260713+nightly
codegen_flags: <defaults>
</compile_context>

<pallas_src>
import jax
import jax.numpy as jnp
from jax import lax
from jax.experimental import pallas as pl
from jax.experimental.pallas import tpu as pltpu
from jax.experimental.pallas import tpu_sc as plsc

D_MODEL = 128
NUM_ROWS = 24
GROUP = 128
CHUNK = 256
SUPER = 2048


def _make_lookup(B: int):
    info = plsc.get_sparse_core_info()
    NC, NS = info.num_cores, info.num_subcores
    NW = NC * NS
    rows_per_w = B // NW
    assert B == NW * rows_per_w and rows_per_w % (2 * SUPER) == 0
    pairs_per_super = SUPER // (2 * CHUNK)
    n_super_pairs = rows_per_w // (2 * SUPER)

    mesh = plsc.VectorSubcoreMesh(core_axis_name="c", subcore_axis_name="s")

    @jax.jit
    def lookup(table, idx):
        def body(table_hbm, idx_hbm, out_hbm, table_sh, idx0, idx1,
                 rows0, rows1, gsem0, gsem1, ssem0, ssem1, isem0, isem1):
            sid = lax.axis_index("s")
            wid = sid * NC + lax.axis_index("c")
            base = wid * rows_per_w
            rows = (rows0, rows1)
            idxs = (idx0, idx1)
            gsems = (gsem0, gsem1)
            ssems = (ssem0, ssem1)
            isems = (isem0, isem1)

            @pl.when(sid == 0)
            def _():
                pltpu.sync_copy(table_hbm, table_sh)

            plsc.subcore_barrier()

            def fire_idx_load(s, ib):
                pltpu.async_copy(idx_hbm.at[pl.ds(base + s * SUPER, SUPER)],
                                 idxs[ib], isems[ib])

            def wait_idx(ib):
                pltpu.make_async_copy(idx_hbm.at[pl.ds(0, SUPER)], idxs[ib],
                                      isems[ib]).wait()

            def process_super(sbase, idx_ref, wait_cond):
                def pq(q, carry):
                    gathers = []
                    for b in (0, 1):
                        ioff = (2 * q + b) * CHUNK

                        @pl.when(wait_cond(q))
                        def _():
                            pltpu.make_async_copy(
                                rows[b], out_hbm.at[pl.ds(0, CHUNK)],
                                ssems[b]).wait()

                        gathers.append((
                            pltpu.async_copy(
                                table_sh.at[idx_ref.at[pl.ds(ioff, GROUP)]],
                                rows[b].at[pl.ds(0, GROUP)], gsems[b]),
                            pltpu.async_copy(
                                table_sh.at[idx_ref.at[pl.ds(ioff + GROUP,
                                                             GROUP)]],
                                rows[b].at[pl.ds(GROUP, GROUP)], gsems[b])))
                    for b in (0, 1):
                        ioff = (2 * q + b) * CHUNK
                        g0, g1 = gathers[b]
                        g0.wait()
                        g1.wait()
                        pltpu.async_copy(
                            rows[b], out_hbm.at[pl.ds(sbase + ioff, CHUNK)],
                            ssems[b])
                    return carry

                lax.fori_loop(0, pairs_per_super, pq, 0, unroll=False)

            fire_idx_load(0, 0)
            fire_idx_load(1, 1)

            def super_pair(sp, carry):
                wait_idx(0)
                process_super(base + (2 * sp) * SUPER, idxs[0],
                              lambda q: (sp > 0) | (q > 0))

                @pl.when(sp < n_super_pairs - 1)
                def _():
                    fire_idx_load(2 * sp + 2, 0)

                wait_idx(1)
                process_super(base + (2 * sp + 1) * SUPER, idxs[1],
                              lambda q: q >= 0)

                @pl.when(sp < n_super_pairs - 1)
                def _():
                    fire_idx_load(2 * sp + 3, 1)
                return carry

            lax.fori_loop(0, n_super_pairs, super_pair, 0, unroll=False)

            for b in (0, 1):
                pltpu.make_async_copy(
                    rows[b], out_hbm.at[pl.ds(0, CHUNK)], ssems[b]).wait()

        return pl.kernel(
            body,
            out_type=jax.ShapeDtypeStruct((B, D_MODEL), jnp.float32),
            mesh=mesh,
            scratch_types=[
                pltpu.VMEM_SHARED((NUM_ROWS, D_MODEL), jnp.float32),
                pltpu.VMEM((SUPER,), jnp.int32),
                pltpu.VMEM((SUPER,), jnp.int32),
                pltpu.VMEM((CHUNK, D_MODEL), jnp.float32),
                pltpu.VMEM((CHUNK, D_MODEL), jnp.float32),
                pltpu.SemaphoreType.DMA,
                pltpu.SemaphoreType.DMA,
                pltpu.SemaphoreType.DMA,
                pltpu.SemaphoreType.DMA,
                pltpu.SemaphoreType.DMA,
                pltpu.SemaphoreType.DMA,
            ],
        )(table, idx)

    return lookup


def kernel(hours, hour_emb):
    B = hours.size
    flat = hours.reshape(B).astype(jnp.int32)
    out = _make_lookup(B)(hour_emb, flat)
    return out.reshape(*hours.shape, D_MODEL)

# --- scband reference (transcript-rebuilt; emitter-appended) ---
"""Pipeline reference for scband-hour-embedding-18975165514125 (READ-ONLY COPY).

The authoritative reference and input builder live on the scoring server;
editing this copy changes nothing except your own understanding.
"""

import jax, jax.numpy as jnp
import numpy as np
import math

D_MODEL = 128
NUM_HOURS = 24

def _build_hour_emb(d_model=D_MODEL, num_hours=NUM_HOURS):
    half_dim = d_model // 2
    freqs = jnp.arange(half_dim, dtype=jnp.float32) / half_dim
    freqs = 2.0 ** freqs
    hours = jnp.arange(num_hours, dtype=jnp.float32)[:, None]
    hourly_emb = 2.0 * math.pi * hours * freqs[None, :] / 24.0
    w = jnp.zeros((num_hours, d_model), dtype=jnp.float32)
    w = w.at[:, 0::2].set(jnp.sin(hourly_emb))
    w = w.at[:, 1::2].set(jnp.cos(hourly_emb))
    return w

def setup_inputs(seed: int = 0) -> dict:
    key = jax.random.key(seed)
    hours = jax.random.randint(key, (16384, 200), 0, NUM_HOURS, dtype=jnp.int64 if jax.config.read('jax_enable_x64') else jnp.int32)
    hour_emb = _build_hour_emb()
    return {"hours": hours, "hour_emb": hour_emb}

def reference(hours, hour_emb):
    # Faithful translation of forward: self.hour_emb[hours]
    return jnp.take(hour_emb, hours, axis=0)

if __name__ == "__main__":
    import jax
    _d = setup_inputs()
    print(jax.jit(kernel)(*tuple(_d.values())))

</pallas_src>

<mosaic_0001>
#map = affine_map<(d0, d1) -> (0, 0)>
#map1 = affine_map<(d0, d1) -> (0)>
module attributes {stable_mosaic.version = 14 : i64} {
  func.func @body(%arg0: i32, %arg1: i32, %arg2: memref<24x128xf32, #tpu.memory_space<hbm>>, %arg3: memref<3276800xi32, #tpu.memory_space<hbm>>, %arg4: memref<3276800x128xf32, #tpu.memory_space<hbm>>, %arg5: memref<24x128xf32, #tpu.memory_space<vmem_shared>>, %arg6: memref<2048xi32, #tpu.memory_space<vmem>>, %arg7: memref<2048xi32, #tpu.memory_space<vmem>>, %arg8: memref<256x128xf32, #tpu.memory_space<vmem>>, %arg9: memref<256x128xf32, #tpu.memory_space<vmem>>, %arg10: memref<!tpu.dma_semaphore, #tpu.memory_space<semaphore_mem>>, %arg11: memref<!tpu.dma_semaphore, #tpu.memory_space<semaphore_mem>>, %arg12: memref<!tpu.dma_semaphore, #tpu.memory_space<semaphore_mem>>, %arg13: memref<!tpu.dma_semaphore, #tpu.memory_space<semaphore_mem>>, %arg14: memref<!tpu.dma_semaphore, #tpu.memory_space<semaphore_mem>>, %arg15: memref<!tpu.dma_semaphore, #tpu.memory_space<semaphore_mem>>) attributes {dimension_semantics = [#tpu.dimension_semantics<core_parallel>, #tpu.dimension_semantics<subcore_parallel>], iteration_bounds = array<i64: 2, 16>, scalar_prefetch = 0 : i64, scratch_operands = 11 : i64, tpu.core_type = #tpu.core_type<sc_vector_subcore>, window_params = [{transform_indices = #map}, {transform_indices = #map1}, {transform_indices = #map}]} {
    %mul3A = arith.constant 2 : i32
    %mul3A_0 = arith.muli %arg1, %mul3A : i32
    %add3A = arith.addi %mul3A_0, %arg0 : i32
    %mul3A_1 = arith.constant 102400 : i32
    %mul3A_2 = arith.muli %add3A, %mul3A_1 : i32
    %eq3A = arith.constant 0 : i32
    %eq3A_3 = arith.cmpi eq, %arg1, %eq3A : i32
    %convert_element_type3A = arith.extui %eq3A_3 : i1 to i32
    %cond3A = arith.constant 0 : i32
    %cond3A_4 = arith.cmpi ne, %convert_element_type3A, %cond3A : i32
    scf.if %cond3A_4 {
      "tpu.region"() ({
        %run_scoped3A = tpu.sem_alloc : memref<!tpu.dma_semaphore, #tpu.memory_space<semaphore_mem>>
        tpu.enqueue_dma source(%arg2 : memref<24x128xf32, #tpu.memory_space<hbm>>) target(%arg5 : memref<24x128xf32, #tpu.memory_space<vmem_shared>>) target_semaphore(%run_scoped3A : memref<!tpu.dma_semaphore, #tpu.memory_space<semaphore_mem>>)
        tpu.wait_dma2 semaphore(%run_scoped3A : memref<!tpu.dma_semaphore, #tpu.memory_space<semaphore_mem>>) src(%arg2 : memref<24x128xf32, #tpu.memory_space<hbm>>) dst(%arg5 : memref<24x128xf32, #tpu.memory_space<vmem_shared>>)
        tpu.yield
      }) : () -> ()
    } else {
    }
    %barrier3A = arith.constant 0 : index
    tpu.barrier barrier_id(%barrier3A)
    %add3A_5 = arith.constant 0 : i32
    %add3A_6 = arith.addi %mul3A_2, %add3A_5 : i32
    %dma_start3A = tpu.memref_slice %arg3[%add3A_6] : memref<3276800xi32, #tpu.memory_space<hbm>> -> memref<2048xi32, #tpu.memory_space<hbm>>
    %dma_start3A_7 = tpu.memref_slice %arg3[%add3A_6] : memref<3276800xi32, #tpu.memory_space<hbm>> -> memref<2048xi32, #tpu.memory_space<hbm>>
    tpu.enqueue_dma source(%dma_start3A_7 : memref<2048xi32, #tpu.memory_space<hbm>>) target(%arg6 : memref<2048xi32, #tpu.memory_space<vmem>>) target_semaphore(%arg14 : memref<!tpu.dma_semaphore, #tpu.memory_space<semaphore_mem>>)
    %add3A_8 = arith.constant 2048 : i32
    %add3A_9 = arith.addi %mul3A_2, %add3A_8 : i32
    %dma_start3A_10 = tpu.memref_slice %arg3[%add3A_9] : memref<3276800xi32, #tpu.memory_space<hbm>> -> memref<2048xi32, #tpu.memory_space<hbm>>
    %dma_start3A_11 = tpu.memref_slice %arg3[%add3A_9] : memref<3276800xi32, #tpu.memory_space<hbm>> -> memref<2048xi32, #tpu.memory_space<hbm>>
    tpu.enqueue_dma source(%dma_start3A_11 : memref<2048xi32, #tpu.memory_space<hbm>>) target(%arg7 : memref<2048xi32, #tpu.memory_space<vmem>>) target_semaphore(%arg15 : memref<!tpu.dma_semaphore, #tpu.memory_space<semaphore_mem>>)
    %scan3A = arith.constant 0 : i32
    %scan3A_12 = arith.constant 0 : i32
    %scan3A_13 = arith.constant 25 : i32
    %scan3A_14 = arith.addi %scan3A_12, %scan3A_13 : i32
    %scan3A_15 = arith.constant 1 : i32
    scf.for %scan3A_28 = %scan3A_12 to %scan3A_14 step %scan3A_15  : i32 {
      %dma_wait3A_29 = arith.constant 0 : i32
      %dma_wait3A_30 = tpu.memref_slice %arg3[%dma_wait3A_29] : memref<3276800xi32, #tpu.memory_space<hbm>> -> memref<2048xi32, #tpu.memory_space<hbm>>
      %dma_wait3A_31 = arith.constant 0 : i32
      %dma_wait3A_32 = tpu.memref_slice %arg3[%dma_wait3A_31] : memref<3276800xi32, #tpu.memory_space<hbm>> -> memref<2048xi32, #tpu.memory_space<hbm>>
      tpu.wait_dma2 semaphore(%arg14 : memref<!tpu.dma_semaphore, #tpu.memory_space<semaphore_mem>>) src(%dma_wait3A_32 : memref<2048xi32, #tpu.memory_space<hbm>>) dst(%arg6 : memref<2048xi32, #tpu.memory_space<vmem>>)
      %mul3A_33 = arith.constant 2 : i32
      %mul3A_34 = arith.muli %mul3A_33, %scan3A_28 : i32
      %mul3A_35 = arith.constant 2048 : i32
      %mul3A_36 = arith.muli %mul3A_34, %mul3A_35 : i32
      %add3A_37 = arith.addi %mul3A_2, %mul3A_36 : i32
      %scan3A_38 = arith.constant 0 : i32
      %scan3A_39 = arith.constant 0 : i32
      %scan3A_40 = arith.constant 4 : i32
      %scan3A_41 = arith.addi %scan3A_39, %scan3A_40 : i32
      %scan3A_42 = arith.constant 1 : i32
      scf.for %scan3A_70 = %scan3A_39 to %scan3A_41 step %scan3A_42  : i32 {
        %mul3A_71 = arith.constant 2 : i32
        %mul3A_72 = arith.muli %mul3A_71, %scan3A_70 : i32
        %add3A_73 = arith.constant 0 : i32
        %add3A_74 = arith.addi %mul3A_72, %add3A_73 : i32
        %mul3A_75 = arith.constant 256 : i32
        %mul3A_76 = arith.muli %add3A_74, %mul3A_75 : i32
        %gt3A = arith.constant 0 : i32
        %gt3A_77 = arith.cmpi sgt, %scan3A_28, %gt3A : i32
        %gt3A_78 = arith.constant 0 : i32
        %gt3A_79 = arith.cmpi sgt, %scan3A_70, %gt3A_78 : i32
        %or3A = arith.ori %gt3A_77, %gt3A_79 : i1
        %convert_element_type3A_80 = arith.extui %or3A : i1 to i32
        %cond3A_81 = arith.constant 0 : i32
        %cond3A_82 = arith.cmpi ne, %convert_element_type3A_80, %cond3A_81 : i32
        scf.if %cond3A_82 {
          %dma_wait3A_179 = arith.constant 0 : i32
          %dma_wait3A_180 = arith.constant 0 : i32
          %dma_wait3A_181 = tpu.memref_slice %arg4[%dma_wait3A_179, %dma_wait3A_180] : memref<3276800x128xf32, #tpu.memory_space<hbm>> -> memref<256x128xf32, #tpu.memory_space<hbm>>
          %dma_wait3A_182 = arith.constant 0 : i32
          %dma_wait3A_183 = arith.constant 0 : i32
          %dma_wait3A_184 = tpu.memref_slice %arg4[%dma_wait3A_182, %dma_wait3A_183] : memref<3276800x128xf32, #tpu.memory_space<hbm>> -> memref<256x128xf32, #tpu.memory_space<hbm>>
          tpu.wait_dma2 semaphore(%arg12 : memref<!tpu.dma_semaphore, #tpu.memory_space<semaphore_mem>>) src(%arg8 : memref<256x128xf32, #tpu.memory_space<vmem>>) dst(%dma_wait3A_184 : memref<256x128xf32, #tpu.memory_space<hbm>>)
        } else {
        }
        %dma_start3A_83 = arith.constant 0 : i32
        %dma_start3A_84 = arith.constant 0 : i32
        %dma_start3A_85 = tpu.memref_slice %arg8[%dma_start3A_83, %dma_start3A_84] : memref<256x128xf32, #tpu.memory_space<vmem>> -> memref<128x128xf32, #tpu.memory_space<vmem>>
        %dma_start3A_86 = tpu.memref_slice %arg6[%mul3A_76] : memref<2048xi32, #tpu.memory_space<vmem>> -> memref<128xi32, #tpu.memory_space<vmem>>
        %dma_start3A_87 = arith.constant 0 : i32
        %dma_start3A_88 = arith.constant 0 : i32
        %dma_start3A_89 = tpu.memref_slice %arg5[%dma_start3A_87, %dma_start3A_88] : memref<24x128xf32, #tpu.memory_space<vmem_shared>> -> memref<24x128xf32, #tpu.memory_space<vmem_shared>>
        tpu.enqueue_indirect_dma source(%dma_start3A_89 : memref<24x128xf32, #tpu.memory_space<vmem_shared>>) target(%dma_start3A_85 : memref<128x128xf32, #tpu.memory_space<vmem>>) offsets(%dma_start3A_86 : memref<128xi32, #tpu.memory_space<vmem>>) semaphore(%arg10 : memref<!tpu.dma_semaphore, #tpu.memory_space<semaphore_mem>>)
        %add3A_90 = arith.constant 128 : i32
        %add3A_91 = arith.addi %mul3A_76, %add3A_90 : i32
        %dma_start3A_92 = arith.constant 128 : i32
        %dma_start3A_93 = arith.constant 0 : i32
        %dma_start3A_94 = tpu.memref_slice %arg8[%dma_start3A_92, %dma_start3A_93] : memref<256x128xf32, #tpu.memory_space<vmem>> -> memref<128x128xf32, #tpu.memory_space<vmem>>
        %dma_start3A_95 = tpu.memref_slice %arg6[%add3A_91] : memref<2048xi32, #tpu.memory_space<vmem>> -> memref<128xi32, #tpu.memory_space<vmem>>
        %dma_start3A_96 = arith.constant 0 : i32
        %dma_start3A_97 = arith.constant 0 : i32
        %dma_start3A_98 = tpu.memref_slice %arg5[%dma_start3A_96, %dma_start3A_97] : memref<24x128xf32, #tpu.memory_space<vmem_shared>> -> memref<24x128xf32, #tpu.memory_space<vmem_shared>>
        tpu.enqueue_indirect_dma source(%dma_start3A_98 : memref<24x128xf32, #tpu.memory_space<vmem_shared>>) target(%dma_start3A_94 : memref<128x128xf32, #tpu.memory_space<vmem>>) offsets(%dma_start3A_95 : memref<128xi32, #tpu.memory_space<vmem>>) semaphore(%arg10 : memref<!tpu.dma_semaphore, #tpu.memory_space<semaphore_mem>>)
        %mul3A_99 = arith.constant 2 : i32
        %mul3A_100 = arith.muli %mul3A_99, %scan3A_70 : i32
        %add3A_101 = arith.constant 1 : i32
        %add3A_102 = arith.addi %mul3A_100, %add3A_101 : i32
        %mul3A_103 = arith.constant 256 : i32
        %mul3A_104 = arith.muli %add3A_102, %mul3A_103 : i32
        %gt3A_105 = arith.constant 0 : i32
        %gt3A_106 = arith.cmpi sgt, %scan3A_28, %gt3A_105 : i32
        %gt3A_107 = arith.constant 0 : i32
        %gt3A_108 = arith.cmpi sgt, %scan3A_70, %gt3A_107 : i32
        %or3A_109 = arith.ori %gt3A_106, %gt3A_108 : i1
        %convert_element_type3A_110 = arith.extui %or3A_109 : i1 to i32
        %cond3A_111 = arith.constant 0 : i32
        %cond3A_112 = arith.cmpi ne, %convert_element_type3A_110, %cond3A_111 : i32
        scf.if %cond3A_112 {
          %dma_wait3A_179 = arith.constant 0 : i32
          %dma_wait3A_180 = arith.constant 0 : i32
          %dma_wait3A_181 = tpu.memref_slice %arg4[%dma_wait3A_179, %dma_wait3A_180] : memref<3276800x128xf32, #tpu.memory_space<hbm>> -> memref<256x128xf32, #tpu.memory_space<hbm>>
          %dma_wait3A_182 = arith.constant 0 : i32
          %dma_wait3A_183 = arith.constant 0 : i32
          %dma_wait3A_184 = tpu.memref_slice %arg4[%dma_wait3A_182, %dma_wait3A_183] : memref<3276800x128xf32, #tpu.memory_space<hbm>> -> memref<256x128xf32, #tpu.memory_space<hbm>>
          tpu.wait_dma2 semaphore(%arg13 : memref<!tpu.dma_semaphore, #tpu.memory_space<semaphore_mem>>) src(%arg9 : memref<256x128xf32, #tpu.memory_space<vmem>>) dst(%dma_wait3A_184 : memref<256x128xf32, #tpu.memory_space<hbm>>)
        } else {
        }
        %dma_start3A_113 = arith.constant 0 : i32
        %dma_start3A_114 = arith.constant 0 : i32
        %dma_start3A_115 = tpu.memref_slice %arg9[%dma_start3A_113, %dma_start3A_114] : memref<256x128xf32, #tpu.memory_space<vmem>> -> memref<128x128xf32, #tpu.memory_space<vmem>>
        %dma_start3A_116 = tpu.memref_slice %arg6[%mul3A_104] : memref<2048xi32, #tpu.memory_space<vmem>> -> memref<128xi32, #tpu.memory_space<vmem>>
        %dma_start3A_117 = arith.constant 0 : i32
        %dma_start3A_118 = arith.constant 0 : i32
        %dma_start3A_119 = tpu.memref_slice %arg5[%dma_start3A_117, %dma_start3A_118] : memref<24x128xf32, #tpu.memory_space<vmem_shared>> -> memref<24x128xf32, #tpu.memory_space<vmem_shared>>
        tpu.enqueue_indirect_dma source(%dma_start3A_119 : memref<24x128xf32, #tpu.memory_space<vmem_shared>>) target(%dma_start3A_115 : memref<128x128xf32, #tpu.memory_space<vmem>>) offsets(%dma_start3A_116 : memref<128xi32, #tpu.memory_space<vmem>>) semaphore(%arg11 : memref<!tpu.dma_semaphore, #tpu.memory_space<semaphore_mem>>)
        %add3A_120 = arith.constant 128 : i32
        %add3A_121 = arith.addi %mul3A_104, %add3A_120 : i32
        %dma_start3A_122 = arith.constant 128 : i32
        %dma_start3A_123 = arith.constant 0 : i32
        %dma_start3A_124 = tpu.memref_slice %arg9[%dma_start3A_122, %dma_start3A_123] : memref<256x128xf32, #tpu.memory_space<vmem>> -> memref<128x128xf32, #tpu.memory_space<vmem>>
        %dma_start3A_125 = tpu.memref_slice %arg6[%add3A_121] : memref<2048xi32, #tpu.memory_space<vmem>> -> memref<128xi32, #tpu.memory_space<vmem>>
        %dma_start3A_126 = arith.constant 0 : i32
        %dma_start3A_127 = arith.constant 0 : i32
        %dma_start3A_128 = tpu.memref_slice %arg5[%dma_start3A_126, %dma_start3A_127] : memref<24x128xf32, #tpu.memory_space<vmem_shared>> -> memref<24x128xf32, #tpu.memory_space<vmem_shared>>
        tpu.enqueue_indirect_dma source(%dma_start3A_128 : memref<24x128xf32, #tpu.memory_space<vmem_shared>>) target(%dma_start3A_124 : memref<128x128xf32, #tpu.memory_space<vmem>>) offsets(%dma_start3A_125 : memref<128xi32, #tpu.memory_space<vmem>>) semaphore(%arg11 : memref<!tpu.dma_semaphore, #tpu.memory_space<semaphore_mem>>)
        %mul3A_129 = arith.constant 2 : i32
        %mul3A_130 = arith.muli %mul3A_129, %scan3A_70 : i32
        %add3A_131 = arith.constant 0 : i32
        %add3A_132 = arith.addi %mul3A_130, %add3A_131 : i32
        %mul3A_133 = arith.constant 256 : i32
        %mul3A_134 = arith.muli %add3A_132, %mul3A_133 : i32
        %dma_wait3A_135 = arith.constant 0 : i32
        %dma_wait3A_136 = arith.constant 0 : i32
        %dma_wait3A_137 = tpu.memref_slice %arg8[%dma_wait3A_135, %dma_wait3A_136] : memref<256x128xf32, #tpu.memory_space<vmem>> -> memref<128x128xf32, #tpu.memory_space<vmem>>
        %dma_wait3A_138 = tpu.memref_slice %arg6[%mul3A_76] : memref<2048xi32, #tpu.memory_space<vmem>> -> memref<128xi32, #tpu.memory_space<vmem>>
        %dma_wait3A_139 = arith.constant 0 : i32
        %dma_wait3A_140 = arith.constant 0 : i32
        %dma_wait3A_141 = tpu.memref_slice %arg5[%dma_wait3A_139, %dma_wait3A_140] : memref<24x128xf32, #tpu.memory_space<vmem_shared>> -> memref<24x128xf32, #tpu.memory_space<vmem_shared>>
        tpu.wait_indirect_dma semaphore(%arg10 : memref<!tpu.dma_semaphore, #tpu.memory_space<semaphore_mem>>) src(%dma_wait3A_141 : memref<24x128xf32, #tpu.memory_space<vmem_shared>>) dst(%dma_wait3A_137 : memref<128x128xf32, #tpu.memory_space<vmem>>)
        %dma_wait3A_142 = arith.constant 128 : i32
        %dma_wait3A_143 = arith.constant 0 : i32
        %dma_wait3A_144 = tpu.memref_slice %arg8[%dma_wait3A_142, %dma_wait3A_143] : memref<256x128xf32, #tpu.memory_space<vmem>> -> memref<128x128xf32, #tpu.memory_space<vmem>>
        %dma_wait3A_145 = tpu.memref_slice %arg6[%add3A_91] : memref<2048xi32, #tpu.memory_space<vmem>> -> memref<128xi32, #tpu.memory_space<vmem>>
        %dma_wait3A_146 = arith.constant 0 : i32
        %dma_wait3A_147 = arith.constant 0 : i32
        %dma_wait3A_148 = tpu.memref_slice %arg5[%dma_wait3A_146, %dma_wait3A_147] : memref<24x128xf32, #tpu.memory_space<vmem_shared>> -> memref<24x128xf32, #tpu.memory_space<vmem_shared>>
        tpu.wait_indirect_dma semaphore(%arg10 : memref<!tpu.dma_semaphore, #tpu.memory_space<semaphore_mem>>) src(%dma_wait3A_148 : memref<24x128xf32, #tpu.memory_space<vmem_shared>>) dst(%dma_wait3A_144 : memref<128x128xf32, #tpu.memory_space<vmem>>)
        %add3A_149 = arith.addi %add3A_37, %mul3A_134 : i32
        %dma_start3A_150 = arith.constant 0 : i32
        %dma_start3A_151 = tpu.memref_slice %arg4[%add3A_149, %dma_start3A_150] : memref<3276800x128xf32, #tpu.memory_space<hbm>> -> memref<256x128xf32, #tpu.memory_space<hbm>>
        %dma_start3A_152 = arith.constant 0 : i32
        %dma_start3A_153 = tpu.memref_slice %arg4[%add3A_149, %dma_start3A_152] : memref<3276800x128xf32, #tpu.memory_space<hbm>> -> memref<256x128xf32, #tpu.memory_space<hbm>>
        tpu.enqueue_dma source(%arg8 : memref<256x128xf32, #tpu.memory_space<vmem>>) target(%dma_start3A_153 : memref<256x128xf32, #tpu.memory_space<hbm>>) target_semaphore(%arg12 : memref<!tpu.dma_semaphore, #tpu.memory_space<semaphore_mem>>)
        %mul3A_154 = arith.constant 2 : i32
        %mul3A_155 = arith.muli %mul3A_154, %scan3A_70 : i32
        %add3A_156 = arith.constant 1 : i32
        %add3A_157 = arith.addi %mul3A_155, %add3A_156 : i32
        %mul3A_158 = arith.constant 256 : i32
        %mul3A_159 = arith.muli %add3A_157, %mul3A_158 : i32
        %dma_wait3A_160 = arith.constant 0 : i32
        %dma_wait3A_161 = arith.constant 0 : i32
        %dma_wait3A_162 = tpu.memref_slice %arg9[%dma_wait3A_160, %dma_wait3A_161] : memref<256x128xf32, #tpu.memory_space<vmem>> -> memref<128x128xf32, #tpu.memory_space<vmem>>
        %dma_wait3A_163 = tpu.memref_slice %arg6[%mul3A_104] : memref<2048xi32, #tpu.memory_space<vmem>> -> memref<128xi32, #tpu.memory_space<vmem>>
        %dma_wait3A_164 = arith.constant 0 : i32
        %dma_wait3A_165 = arith.constant 0 : i32
        %dma_wait3A_166 = tpu.memref_slice %arg5[%dma_wait3A_164, %dma_wait3A_165] : memref<24x128xf32, #tpu.memory_space<vmem_shared>> -> memref<24x128xf32, #tpu.memory_space<vmem_shared>>
        tpu.wait_indirect_dma semaphore(%arg11 : memref<!tpu.dma_semaphore, #tpu.memory_space<semaphore_mem>>) src(%dma_wait3A_166 : memref<24x128xf32, #tpu.memory_space<vmem_shared>>) dst(%dma_wait3A_162 : memref<128x128xf32, #tpu.memory_space<vmem>>)
        %dma_wait3A_167 = arith.constant 128 : i32
        %dma_wait3A_168 = arith.constant 0 : i32
        %dma_wait3A_169 = tpu.memref_slice %arg9[%dma_wait3A_167, %dma_wait3A_168] : memref<256x128xf32, #tpu.memory_space<vmem>> -> memref<128x128xf32, #tpu.memory_space<vmem>>
        %dma_wait3A_170 = tpu.memref_slice %arg6[%add3A_121] : memref<2048xi32, #tpu.memory_space<vmem>> -> memref<128xi32, #tpu.memory_space<vmem>>
        %dma_wait3A_171 = arith.constant 0 : i32
        %dma_wait3A_172 = arith.constant 0 : i32
        %dma_wait3A_173 = tpu.memref_slice %arg5[%dma_wait3A_171, %dma_wait3A_172] : memref<24x128xf32, #tpu.memory_space<vmem_shared>> -> memref<24x128xf32, #tpu.memory_space<vmem_shared>>
        tpu.wait_indirect_dma semaphore(%arg11 : memref<!tpu.dma_semaphore, #tpu.memory_space<semaphore_mem>>) src(%dma_wait3A_173 : memref<24x128xf32, #tpu.memory_space<vmem_shared>>) dst(%dma_wait3A_169 : memref<128x128xf32, #tpu.memory_space<vmem>>)
        %add3A_174 = arith.addi %add3A_37, %mul3A_159 : i32
        %dma_start3A_175 = arith.constant 0 : i32
        %dma_start3A_176 = tpu.memref_slice %arg4[%add3A_174, %dma_start3A_175] : memref<3276800x128xf32, #tpu.memory_space<hbm>> -> memref<256x128xf32, #tpu.memory_space<hbm>>
        %dma_start3A_177 = arith.constant 0 : i32
        %dma_start3A_178 = tpu.memref_slice %arg4[%add3A_174, %dma_start3A_177] : memref<3276800x128xf32, #tpu.memory_space<hbm>> -> memref<256x128xf32, #tpu.memory_space<hbm>>
        tpu.enqueue_dma source(%arg9 : memref<256x128xf32, #tpu.memory_space<vmem>>) target(%dma_start3A_178 : memref<256x128xf32, #tpu.memory_space<hbm>>) target_semaphore(%arg13 : memref<!tpu.dma_semaphore, #tpu.memory_space<semaphore_mem>>)
      }
      %scan3A_43 = arith.constant 4 : i32
      %lt3A = arith.constant 24 : i32
      %lt3A_44 = arith.cmpi slt, %scan3A_28, %lt3A : i32
      %convert_element_type3A_45 = arith.extui %lt3A_44 : i1 to i32
      %cond3A_46 = arith.constant 0 : i32
      %cond3A_47 = arith.cmpi ne, %convert_element_type3A_45, %cond3A_46 : i32
      scf.if %cond3A_47 {
        %mul3A_70 = arith.constant 2 : i32
        %mul3A_71 = arith.muli %mul3A_70, %scan3A_28 : i32
        %add3A_72 = arith.constant 2 : i32
        %add3A_73 = arith.addi %mul3A_71, %add3A_72 : i32
        %mul3A_74 = arith.constant 2048 : i32
        %mul3A_75 = arith.muli %add3A_73, %mul3A_74 : i32
        %add3A_76 = arith.addi %mul3A_2, %mul3A_75 : i32
        %dma_start3A_77 = tpu.memref_slice %arg3[%add3A_76] : memref<3276800xi32, #tpu.memory_space<hbm>> -> memref<2048xi32, #tpu.memory_space<hbm>>
        %dma_start3A_78 = tpu.memref_slice %arg3[%add3A_76] : memref<3276800xi32, #tpu.memory_space<hbm>> -> memref<2048xi32, #tpu.memory_space<hbm>>
        tpu.enqueue_dma source(%dma_start3A_78 : memref<2048xi32, #tpu.memory_space<hbm>>) target(%arg6 : memref<2048xi32, #tpu.memory_space<vmem>>) target_semaphore(%arg14 : memref<!tpu.dma_semaphore, #tpu.memory_space<semaphore_mem>>)
      } else {
      }
      %dma_wait3A_48 = arith.constant 0 : i32
      %dma_wait3A_49 = tpu.memref_slice %arg3[%dma_wait3A_48] : memref<3276800xi32, #tpu.memory_space<hbm>> -> memref<2048xi32, #tpu.memory_space<hbm>>
      %dma_wait3A_50 = arith.constant 0 : i32
      %dma_wait3A_51 = tpu.memref_slice %arg3[%dma_wait3A_50] : memref<3276800xi32, #tpu.memory_space<hbm>> -> memref<2048xi32, #tpu.memory_space<hbm>>
      tpu.wait_dma2 semaphore(%arg15 : memref<!tpu.dma_semaphore, #tpu.memory_space<semaphore_mem>>) src(%dma_wait3A_51 : memref<2048xi32, #tpu.memory_space<hbm>>) dst(%arg7 : memref<2048xi32, #tpu.memory_space<vmem>>)
      %mul3A_52 = arith.constant 2 : i32
      %mul3A_53 = arith.muli %mul3A_52, %scan3A_28 : i32
      %add3A_54 = arith.constant 1 : i32
      %add3A_55 = arith.addi %mul3A_53, %add3A_54 : i32
      %mul3A_56 = arith.constant 2048 : i32
      %mul3A_57 = arith.muli %add3A_55, %mul3A_56 : i32
      %add3A_58 = arith.addi %mul3A_2, %mul3A_57 : i32
      %scan3A_59 = arith.constant 0 : i32
      %scan3A_60 = arith.constant 0 : i32
      %scan3A_61 = arith.constant 4 : i32
      %scan3A_62 = arith.addi %scan3A_60, %scan3A_61 : i32
      %scan3A_63 = arith.constant 1 : i32
      scf.for %scan3A_70 = %scan3A_60 to %scan3A_62 step %scan3A_63  : i32 {
        %mul3A_71 = arith.constant 2 : i32
        %mul3A_72 = arith.muli %mul3A_71, %scan3A_70 : i32
        %add3A_73 = arith.constant 0 : i32
        %add3A_74 = arith.addi %mul3A_72, %add3A_73 : i32
        %mul3A_75 = arith.constant 256 : i32
        %mul3A_76 = arith.muli %add3A_74, %mul3A_75 : i32
        %ge3A = arith.constant 0 : i32
        %ge3A_77 = arith.cmpi sge, %scan3A_70, %ge3A : i32
        %convert_element_type3A_78 = arith.extui %ge3A_77 : i1 to i32
        %cond3A_79 = arith.constant 0 : i32
        %cond3A_80 = arith.cmpi ne, %convert_element_type3A_78, %cond3A_79 : i32
        scf.if %cond3A_80 {
          %dma_wait3A_174 = arith.constant 0 : i32
          %dma_wait3A_175 = arith.constant 0 : i32
          %dma_wait3A_176 = tpu.memref_slice %arg4[%dma_wait3A_174, %dma_wait3A_175] : memref<3276800x128xf32, #tpu.memory_space<hbm>> -> memref<256x128xf32, #tpu.memory_space<hbm>>
          %dma_wait3A_177 = arith.constant 0 : i32
          %dma_wait3A_178 = arith.constant 0 : i32
          %dma_wait3A_179 = tpu.memref_slice %arg4[%dma_wait3A_177, %dma_wait3A_178] : memref<3276800x128xf32, #tpu.memory_space<hbm>> -> memref<256x128xf32, #tpu.memory_space<hbm>>
          tpu.wait_dma2 semaphore(%arg12 : memref<!tpu.dma_semaphore, #tpu.memory_space<semaphore_mem>>) src(%arg8 : memref<256x128xf32, #tpu.memory_space<vmem>>) dst(%dma_wait3A_179 : memref<256x128xf32, #tpu.memory_space<hbm>>)
        } else {
        }
        %dma_start3A_81 = arith.constant 0 : i32
        %dma_start3A_82 = arith.constant 0 : i32
        %dma_start3A_83 = tpu.memref_slice %arg8[%dma_start3A_81, %dma_start3A_82] : memref<256x128xf32, #tpu.memory_space<vmem>> -> memref<128x128xf32, #tpu.memory_space<vmem>>
        %dma_start3A_84 = tpu.memref_slice %arg7[%mul3A_76] : memref<2048xi32, #tpu.memory_space<vmem>> -> memref<128xi32, #tpu.memory_space<vmem>>
        %dma_start3A_85 = arith.constant 0 : i32
        %dma_start3A_86 = arith.constant 0 : i32
        %dma_start3A_87 = tpu.memref_slice %arg5[%dma_start3A_85, %dma_start3A_86] : memref<24x128xf32, #tpu.memory_space<vmem_shared>> -> memref<24x128xf32, #tpu.memory_space<vmem_shared>>
        tpu.enqueue_indirect_dma source(%dma_start3A_87 : memref<24x128xf32, #tpu.memory_space<vmem_shared>>) target(%dma_start3A_83 : memref<128x128xf32, #tpu.memory_space<vmem>>) offsets(%dma_start3A_84 : memref<128xi32, #tpu.memory_space<vmem>>) semaphore(%arg10 : memref<!tpu.dma_semaphore, #tpu.memory_space<semaphore_mem>>)
        %add3A_88 = arith.constant 128 : i32
        %add3A_89 = arith.addi %mul3A_76, %add3A_88 : i32
        %dma_start3A_90 = arith.constant 128 : i32
        %dma_start3A_91 = arith.constant 0 : i32
        %dma_start3A_92 = tpu.memref_slice %arg8[%dma_start3A_90, %dma_start3A_91] : memref<256x128xf32, #tpu.memory_space<vmem>> -> memref<128x128xf32, #tpu.memory_space<vmem>>
        %dma_start3A_93 = tpu.memref_slice %arg7[%add3A_89] : memref<2048xi32, #tpu.memory_space<vmem>> -> memref<128xi32, #tpu.memory_space<vmem>>
        %dma_start3A_94 = arith.constant 0 : i32
        %dma_start3A_95 = arith.constant 0 : i32
        %dma_start3A_96 = tpu.memref_slice %arg5[%dma_start3A_94, %dma_start3A_95] : memref<24x128xf32, #tpu.memory_space<vmem_shared>> -> memref<24x128xf32, #tpu.memory_space<vmem_shared>>
        tpu.enqueue_indirect_dma source(%dma_start3A_96 : memref<24x128xf32, #tpu.memory_space<vmem_shared>>) target(%dma_start3A_92 : memref<128x128xf32, #tpu.memory_space<vmem>>) offsets(%dma_start3A_93 : memref<128xi32, #tpu.memory_space<vmem>>) semaphore(%arg10 : memref<!tpu.dma_semaphore, #tpu.memory_space<semaphore_mem>>)
        %mul3A_97 = arith.constant 2 : i32
        %mul3A_98 = arith.muli %mul3A_97, %scan3A_70 : i32
        %add3A_99 = arith.constant 1 : i32
        %add3A_100 = arith.addi %mul3A_98, %add3A_99 : i32
        %mul3A_101 = arith.constant 256 : i32
        %mul3A_102 = arith.muli %add3A_100, %mul3A_101 : i32
        %ge3A_103 = arith.constant 0 : i32
        %ge3A_104 = arith.cmpi sge, %scan3A_70, %ge3A_103 : i32
        %convert_element_type3A_105 = arith.extui %ge3A_104 : i1 to i32
        %cond3A_106 = arith.constant 0 : i32
        %cond3A_107 = arith.cmpi ne, %convert_element_type3A_105, %cond3A_106 : i32
        scf.if %cond3A_107 {
          %dma_wait3A_174 = arith.constant 0 : i32
          %dma_wait3A_175 = arith.constant 0 : i32
          %dma_wait3A_176 = tpu.memref_slice %arg4[%dma_wait3A_174, %dma_wait3A_175] : memref<3276800x128xf32, #tpu.memory_space<hbm>> -> memref<256x128xf32, #tpu.memory_space<hbm>>
          %dma_wait3A_177 = arith.constant 0 : i32
          %dma_wait3A_178 = arith.constant 0 : i32
          %dma_wait3A_179 = tpu.memref_slice %arg4[%dma_wait3A_177, %dma_wait3A_178] : memref<3276800x128xf32, #tpu.memory_space<hbm>> -> memref<256x128xf32, #tpu.memory_space<hbm>>
          tpu.wait_dma2 semaphore(%arg13 : memref<!tpu.dma_semaphore, #tpu.memory_space<semaphore_mem>>) src(%arg9 : memref<256x128xf32, #tpu.memory_space<vmem>>) dst(%dma_wait3A_179 : memref<256x128xf32, #tpu.memory_space<hbm>>)
        } else {
        }
        %dma_start3A_108 = arith.constant 0 : i32
        %dma_start3A_109 = arith.constant 0 : i32
        %dma_start3A_110 = tpu.memref_slice %arg9[%dma_start3A_108, %dma_start3A_109] : memref<256x128xf32, #tpu.memory_space<vmem>> -> memref<128x128xf32, #tpu.memory_space<vmem>>
        %dma_start3A_111 = tpu.memref_slice %arg7[%mul3A_102] : memref<2048xi32, #tpu.memory_space<vmem>> -> memref<128xi32, #tpu.memory_space<vmem>>
        %dma_start3A_112 = arith.constant 0 : i32
        %dma_start3A_113 = arith.constant 0 : i32
        %dma_start3A_114 = tpu.memref_slice %arg5[%dma_start3A_112, %dma_start3A_113] : memref<24x128xf32, #tpu.memory_space<vmem_shared>> -> memref<24x128xf32, #tpu.memory_space<vmem_shared>>
        tpu.enqueue_indirect_dma source(%dma_start3A_114 : memref<24x128xf32, #tpu.memory_space<vmem_shared>>) target(%dma_start3A_110 : memref<128x128xf32, #tpu.memory_space<vmem>>) offsets(%dma_start3A_111 : memref<128xi32, #tpu.memory_space<vmem>>) semaphore(%arg11 : memref<!tpu.dma_semaphore, #tpu.memory_space<semaphore_mem>>)
        %add3A_115 = arith.constant 128 : i32
        %add3A_116 = arith.addi %mul3A_102, %add3A_115 : i32
        %dma_start3A_117 = arith.constant 128 : i32
        %dma_start3A_118 = arith.constant 0 : i32
        %dma_start3A_119 = tpu.memref_slice %arg9[%dma_start3A_117, %dma_start3A_118] : memref<256x128xf32, #tpu.memory_space<vmem>> -> memref<128x128xf32, #tpu.memory_space<vmem>>
        %dma_start3A_120 = tpu.memref_slice %arg7[%add3A_116] : memref<2048xi32, #tpu.memory_space<vmem>> -> memref<128xi32, #tpu.memory_space<vmem>>
        %dma_start3A_121 = arith.constant 0 : i32
        %dma_start3A_122 = arith.constant 0 : i32
        %dma_start3A_123 = tpu.memref_slice %arg5[%dma_start3A_121, %dma_start3A_122] : memref<24x128xf32, #tpu.memory_space<vmem_shared>> -> memref<24x128xf32, #tpu.memory_space<vmem_shared>>
        tpu.enqueue_indirect_dma source(%dma_start3A_123 : memref<24x128xf32, #tpu.memory_space<vmem_shared>>) target(%dma_start3A_119 : memref<128x128xf32, #tpu.memory_space<vmem>>) offsets(%dma_start3A_120 : memref<128xi32, #tpu.memory_space<vmem>>) semaphore(%arg11 : memref<!tpu.dma_semaphore, #tpu.memory_space<semaphore_mem>>)
        %mul3A_124 = arith.constant 2 : i32
        %mul3A_125 = arith.muli %mul3A_124, %scan3A_70 : i32
        %add3A_126 = arith.constant 0 : i32
        %add3A_127 = arith.addi %mul3A_125, %add3A_126 : i32
        %mul3A_128 = arith.constant 256 : i32
        %mul3A_129 = arith.muli %add3A_127, %mul3A_128 : i32
        %dma_wait3A_130 = arith.constant 0 : i32
        %dma_wait3A_131 = arith.constant 0 : i32
        %dma_wait3A_132 = tpu.memref_slice %arg8[%dma_wait3A_130, %dma_wait3A_131] : memref<256x128xf32, #tpu.memory_space<vmem>> -> memref<128x128xf32, #tpu.memory_space<vmem>>
        %dma_wait3A_133 = tpu.memref_slice %arg7[%mul3A_76] : memref<2048xi32, #tpu.memory_space<vmem>> -> memref<128xi32, #tpu.memory_space<vmem>>
        %dma_wait3A_134 = arith.constant 0 : i32
        %dma_wait3A_135 = arith.constant 0 : i32
        %dma_wait3A_136 = tpu.memref_slice %arg5[%dma_wait3A_134, %dma_wait3A_135] : memref<24x128xf32, #tpu.memory_space<vmem_shared>> -> memref<24x128xf32, #tpu.memory_space<vmem_shared>>
        tpu.wait_indirect_dma semaphore(%arg10 : memref<!tpu.dma_semaphore, #tpu.memory_space<semaphore_mem>>) src(%dma_wait3A_136 : memref<24x128xf32, #tpu.memory_space<vmem_shared>>) dst(%dma_wait3A_132 : memref<128x128xf32, #tpu.memory_space<vmem>>)
        %dma_wait3A_137 = arith.constant 128 : i32
        %dma_wait3A_138 = arith.constant 0 : i32
        %dma_wait3A_139 = tpu.memref_slice %arg8[%dma_wait3A_137, %dma_wait3A_138] : memref<256x128xf32, #tpu.memory_space<vmem>> -> memref<128x128xf32, #tpu.memory_space<vmem>>
        %dma_wait3A_140 = tpu.memref_slice %arg7[%add3A_89] : memref<2048xi32, #tpu.memory_space<vmem>> -> memref<128xi32, #tpu.memory_space<vmem>>
        %dma_wait3A_141 = arith.constant 0 : i32
        %dma_wait3A_142 = arith.constant 0 : i32
        %dma_wait3A_143 = tpu.memref_slice %arg5[%dma_wait3A_141, %dma_wait3A_142] : memref<24x128xf32, #tpu.memory_space<vmem_shared>> -> memref<24x128xf32, #tpu.memory_space<vmem_shared>>
        tpu.wait_indirect_dma semaphore(%arg10 : memref<!tpu.dma_semaphore, #tpu.memory_space<semaphore_mem>>) src(%dma_wait3A_143 : memref<24x128xf32, #tpu.memory_space<vmem_shared>>) dst(%dma_wait3A_139 : memref<128x128xf32, #tpu.memory_space<vmem>>)
        %add3A_144 = arith.addi %add3A_58, %mul3A_129 : i32
        %dma_start3A_145 = arith.constant 0 : i32
        %dma_start3A_146 = tpu.memref_slice %arg4[%add3A_144, %dma_start3A_145] : memref<3276800x128xf32, #tpu.memory_space<hbm>> -> memref<256x128xf32, #tpu.memory_space<hbm>>
        %dma_start3A_147 = arith.constant 0 : i32
        %dma_start3A_148 = tpu.memref_slice %arg4[%add3A_144, %dma_start3A_147] : memref<3276800x128xf32, #tpu.memory_space<hbm>> -> memref<256x128xf32, #tpu.memory_space<hbm>>
        tpu.enqueue_dma source(%arg8 : memref<256x128xf32, #tpu.memory_space<vmem>>) target(%dma_start3A_148 : memref<256x128xf32, #tpu.memory_space<hbm>>) target_semaphore(%arg12 : memref<!tpu.dma_semaphore, #tpu.memory_space<semaphore_mem>>)
        %mul3A_149 = arith.constant 2 : i32
        %mul3A_150 = arith.muli %mul3A_149, %scan3A_70 : i32
        %add3A_151 = arith.constant 1 : i32
        %add3A_152 = arith.addi %mul3A_150, %add3A_151 : i32
        %mul3A_153 = arith.constant 256 : i32
        %mul3A_154 = arith.muli %add3A_152, %mul3A_153 : i32
        %dma_wait3A_155 = arith.constant 0 : i32
        %dma_wait3A_156 = arith.constant 0 : i32
        %dma_wait3A_157 = tpu.memref_slice %arg9[%dma_wait3A_155, %dma_wait3A_156] : memref<256x128xf32, #tpu.memory_space<vmem>> -> memref<128x128xf32, #tpu.memory_space<vmem>>
        %dma_wait3A_158 = tpu.memref_slice %arg7[%mul3A_102] : memref<2048xi32, #tpu.memory_space<vmem>> -> memref<128xi32, #tpu.memory_space<vmem>>
        %dma_wait3A_159 = arith.constant 0 : i32
        %dma_wait3A_160 = arith.constant 0 : i32
        %dma_wait3A_161 = tpu.memref_slice %arg5[%dma_wait3A_159, %dma_wait3A_160] : memref<24x128xf32, #tpu.memory_space<vmem_shared>> -> memref<24x128xf32, #tpu.memory_space<vmem_shared>>
        tpu.wait_indirect_dma semaphore(%arg11 : memref<!tpu.dma_semaphore, #tpu.memory_space<semaphore_mem>>) src(%dma_wait3A_161 : memref<24x128xf32, #tpu.memory_space<vmem_shared>>) dst(%dma_wait3A_157 : memref<128x128xf32, #tpu.memory_space<vmem>>)
        %dma_wait3A_162 = arith.constant 128 : i32
        %dma_wait3A_163 = arith.constant 0 : i32
        %dma_wait3A_164 = tpu.memref_slice %arg9[%dma_wait3A_162, %dma_wait3A_163] : memref<256x128xf32, #tpu.memory_space<vmem>> -> memref<128x128xf32, #tpu.memory_space<vmem>>
        %dma_wait3A_165 = tpu.memref_slice %arg7[%add3A_116] : memref<2048xi32, #tpu.memory_space<vmem>> -> memref<128xi32, #tpu.memory_space<vmem>>
        %dma_wait3A_166 = arith.constant 0 : i32
        %dma_wait3A_167 = arith.constant 0 : i32
        %dma_wait3A_168 = tpu.memref_slice %arg5[%dma_wait3A_166, %dma_wait3A_167] : memref<24x128xf32, #tpu.memory_space<vmem_shared>> -> memref<24x128xf32, #tpu.memory_space<vmem_shared>>
        tpu.wait_indirect_dma semaphore(%arg11 : memref<!tpu.dma_semaphore, #tpu.memory_space<semaphore_mem>>) src(%dma_wait3A_168 : memref<24x128xf32, #tpu.memory_space<vmem_shared>>) dst(%dma_wait3A_164 : memref<128x128xf32, #tpu.memory_space<vmem>>)
        %add3A_169 = arith.addi %add3A_58, %mul3A_154 : i32
        %dma_start3A_170 = arith.constant 0 : i32
        %dma_start3A_171 = tpu.memref_slice %arg4[%add3A_169, %dma_start3A_170] : memref<3276800x128xf32, #tpu.memory_space<hbm>> -> memref<256x128xf32, #tpu.memory_space<hbm>>
        %dma_start3A_172 = arith.constant 0 : i32
        %dma_start3A_173 = tpu.memref_slice %arg4[%add3A_169, %dma_start3A_172] : memref<3276800x128xf32, #tpu.memory_space<hbm>> -> memref<256x128xf32, #tpu.memory_space<hbm>>
        tpu.enqueue_dma source(%arg9 : memref<256x128xf32, #tpu.memory_space<vmem>>) target(%dma_start3A_173 : memref<256x128xf32, #tpu.memory_space<hbm>>) target_semaphore(%arg13 : memref<!tpu.dma_semaphore, #tpu.memory_space<semaphore_mem>>)
      }
      %scan3A_64 = arith.constant 4 : i32
      %lt3A_65 = arith.constant 24 : i32
      %lt3A_66 = arith.cmpi slt, %scan3A_28, %lt3A_65 : i32
      %convert_element_type3A_67 = arith.extui %lt3A_66 : i1 to i32
      %cond3A_68 = arith.constant 0 : i32
      %cond3A_69 = arith.cmpi ne, %convert_element_type3A_67, %cond3A_68 : i32
      scf.if %cond3A_69 {
        %mul3A_70 = arith.constant 2 : i32
        %mul3A_71 = arith.muli %mul3A_70, %scan3A_28 : i32
        %add3A_72 = arith.constant 3 : i32
        %add3A_73 = arith.addi %mul3A_71, %add3A_72 : i32
        %mul3A_74 = arith.constant 2048 : i32
        %mul3A_75 = arith.muli %add3A_73, %mul3A_74 : i32
        %add3A_76 = arith.addi %mul3A_2, %mul3A_75 : i32
        %dma_start3A_77 = tpu.memref_slice %arg3[%add3A_76] : memref<3276800xi32, #tpu.memory_space<hbm>> -> memref<2048xi32, #tpu.memory_space<hbm>>
        %dma_start3A_78 = tpu.memref_slice %arg3[%add3A_76] : memref<3276800xi32, #tpu.memory_space<hbm>> -> memref<2048xi32, #tpu.memory_space<hbm>>
        tpu.enqueue_dma source(%dma_start3A_78 : memref<2048xi32, #tpu.memory_space<hbm>>) target(%arg7 : memref<2048xi32, #tpu.memory_space<vmem>>) target_semaphore(%arg15 : memref<!tpu.dma_semaphore, #tpu.memory_space<semaphore_mem>>)
      } else {
      }
    }
    %scan3A_16 = arith.constant 25 : i32
    %dma_wait3A = arith.constant 0 : i32
    %dma_wait3A_17 = arith.constant 0 : i32
    %dma_wait3A_18 = tpu.memref_slice %arg4[%dma_wait3A, %dma_wait3A_17] : memref<3276800x128xf32, #tpu.memory_space<hbm>> -> memref<256x128xf32, #tpu.memory_space<hbm>>
    %dma_wait3A_19 = arith.constant 0 : i32
    %dma_wait3A_20 = arith.constant 0 : i32
    %dma_wait3A_21 = tpu.memref_slice %arg4[%dma_wait3A_19, %dma_wait3A_20] : memref<3276800x128xf32, #tpu.memory_space<hbm>> -> memref<256x128xf32, #tpu.memory_space<hbm>>
    tpu.wait_dma2 semaphore(%arg12 : memref<!tpu.dma_semaphore, #tpu.memory_space<semaphore_mem>>) src(%arg8 : memref<256x128xf32, #tpu.memory_space<vmem>>) dst(%dma_wait3A_21 : memref<256x128xf32, #tpu.memory_space<hbm>>)
    %dma_wait3A_22 = arith.constant 0 : i32
    %dma_wait3A_23 = arith.constant 0 : i32
    %dma_wait3A_24 = tpu.memref_slice %arg4[%dma_wait3A_22, %dma_wait3A_23] : memref<3276800x128xf32, #tpu.memory_space<hbm>> -> memref<256x128xf32, #tpu.memory_space<hbm>>
    %dma_wait3A_25 = arith.constant 0 : i32
    %dma_wait3A_26 = arith.constant 0 : i32
    %dma_wait3A_27 = tpu.memref_slice %arg4[%dma_wait3A_25, %dma_wait3A_26] : memref<3276800x128xf32, #tpu.memory_space<hbm>> -> memref<256x128xf32, #tpu.memory_space<hbm>>
    tpu.wait_dma2 semaphore(%arg13 : memref<!tpu.dma_semaphore, #tpu.memory_space<semaphore_mem>>) src(%arg9 : memref<256x128xf32, #tpu.memory_space<vmem>>) dst(%dma_wait3A_27 : memref<256x128xf32, #tpu.memory_space<hbm>>)
    return
  }
}

</mosaic_0001>

<sc_bundles>
// kernel: lookup.3.cloned.1.call-start
scs
__scs_entry_jumppad:
0x0: {  	(pc) =	sbr.rel $0x88, $3  }
0x1: {  	(tag) =	ssettag $0x0;
	lr =	simm.s32 $0x1  }
0x2: {  	[smem:$0x3F9F] =	sst lr;
	_ =	strace $0xD0000000  }
0x3: {  	_ = 	snop  }
0x4: {  	_ = 	snop  }
0x5: {  	_ = 	snop  }
0x6: {  	_ = 	snop  }
0x7: {  	_ = 	snop  }
__scs_overlays_trampoline_lowered:
0x8: {  	[smem:$0x3FAE] =	sst s0  }
0x9: {  	[smem:$0x3FAF] =	sst s1  }
0xa: {  	[smem:$0x3FB0] =	sst s2  }
0xb: {  	[smem:$0x3FB1] =	sst s3  }
0xc: {  	[smem:$0x3FB2] =	sst s4  }
0xd: {  	[smem:$0x3FB3] =	sst s5  }
0xe: {  	[smem:$0x3FB4] =	sst s6  }
0xf: {  	[smem:$0x3FB5] =	sst s7  }
0x10: {  	[smem:$0x3FB6] =	sst s8  }
0x11: {  	[smem:$0x3FB7] =	sst s9;
	s0 =	simm.s32 @!p0 $0x0  }
0x12: {  	s1 =	sld [smem:$0x3F9D];
	s0 =	simm.s32 @p0 $0x1  }
0x13: {  	[smem:$0x3FB8] =	sst s0;
	s0 =	simm.s32 @!p1 $0x0  }
0x14: {  	s2 =	sld [smem:$0x3F9C];
	s0 =	simm.s32 @p1 $0x1  }
0x15: {  	[smem:$0x3FB9] =	sst s0;
	s0 =	simm.s32 @!p2 $0x0  }
0x16: {  	s3 =	sld [smem:$0x3FDB];
	s0 =	simm.s32 @p2 $0x1  }
0x17: {  	s4 =	simm.s32 $0x1BF5;
	[smem:$0x3FBB] =	sst s0  }
0x18: {  	s0 =	sld [smem:$0x3F9E];
	_ =	swait.ge [sflag:s4], $0x0  }
0x19: {  	s7 =	sld [smem:$0x3F9F]  }
0x1a: {  	s8 =	sadd.s32 $0xFFFFE003, lr  }
0x1b: {  	s9 =	sadd.s32 $0xFFFFFEF7, lr;
	s5 =	simm.s32 $0xFFFFFFFF;
	p2 =	slt.u32 s8, $0xFFFFF086  }
0x1c: {  	p1 =	slt.u32 s9, $0xF7A;
	s5 =	simm.s32 @!p2 $0x0  }
0x1d: {  	s5 =	simm.s32 @p1 $0x1;
	p0 =	seq.s32 s7, s2  }
0x1e: {  	s7 =	smul.u32 @!p0 $0xF7A, s2;
	p2 =	seq.s32 @!p0 s5, $0x0  }
0x1f: {  	s9 =	smul.u32 $0xF7A, s1;
	s8 =	simm.s32 @!p0 $0x1BF5;
	p2 =	por !p2, p0  }
0x20: {  	[sflag:s8] =	ssyncset.s32 @!p0 $0xFFFFF086;
	s6 =	sadd.s32 @!p0 s3, s7;
	s7 =	simm.s32 @!p0 $0x108  }
0x21: {  	s3 =	sadd.s32 s3, s9;
	s6 =	sadd.s32 @!p0 $0x88, s6;
	s7 =	simm.s32 @p2 $0x1082  }
0x22: {  	[simem:s7], [sflag:s8] =	dma.local @!p0 [hbm:s6], $0xF7A  }
0x23: {  	s9 =	sor.u32 $0xD0000000, s2;
	s6 =	simm.s32 $0x108;
	_ =	swait.ge @!p0 [sflag:s8], $0x0  }
0x24: {  	s3 =	sadd.s32 $0x88, s3;
	s6 =	simm.s32 @!p1 $0x1082;
	[sflag:s4] =	ssyncset.s32 $0xFFFFF086  }
0x25: {  	[simem:s6], [sflag:s4] =	dma.local [hbm:s3], $0xF7A  }
0x26: {  	[smem:$0x3F9F] =	sst s1;
	(tag) =	ssettag s2;
	_ =	strace s9  }
0x27: {  	s1 =	sld [smem:$0x3FAF]  }
0x28: {  	s2 =	sld [smem:$0x3FB0]  }
0x29: {  	s4 =	sld [smem:$0x3FB2]  }
0x2a: {  	p0 =	seq.s32 s5, $0x0;
	s5 =	sld [smem:$0x3FB3]  }
0x2b: {  	s6 =	sld [smem:$0x3FB4]  }
0x2c: {  	s7 =	sld [smem:$0x3FB5]  }
0x2d: {  	s3 =	simm.s32 $0x108;
	s8 =	sld [smem:$0x3FB6]  }
0x2e: {  	s3 =	simm.s32 @!p0 $0x1082;
	s9 =	sld [smem:$0x3FB7]  }
0x2f: {  	lr =	sadd.s32 s0, s3;
	s0 =	sld [smem:$0x3FAE]  }
0x30: {  	s3 =	sld [smem:$0x3FB1]  }
0x31: {  	[smem:$0x3FBA] =	sst s10  }
0x32: {  	s10 =	sld [smem:$0x3FB8];
	_ =	sdelay $0x3  }
0x33: {  	p0 =	seq.s32 s10, $0x1;
	s10 =	sld [smem:$0x3FBA];
	_ =	sdelay $0x3  }
0x34: {  	[smem:$0x3FBA] =	sst s10  }
0x35: {  	s10 =	sld [smem:$0x3FB9];
	_ =	sdelay $0x3  }
0x36: {  	p1 =	seq.s32 s10, $0x1;
	s10 =	sld [smem:$0x3FBA];
	_ =	sdelay $0x3  }
0x37: {  	[smem:$0x3FBA] =	sst s10  }
0x38: {  	s10 =	sld [smem:$0x3FBB]  }
0x39: {  	_ = 	snop;
	(pc) =	sbr.ind lr, $3  }
0x3a: {  	_ = 	snop  }
0x3b: {  	_ = 	snop  }
0x3c: {  	p2 =	seq.s32 s10, $0x1;
	s10 =	sld [smem:$0x3FBA]  }
0x3d: {  	_ =	shalt  }
0x3e: {  	_ =	shalt  }
0x3f: {  	_ =	shalt  }
0x40: {  	_ =	shalt  }
0x41: {  	_ =	shalt  }
0x42: {  	_ =	shalt  }
0x43: {  	_ =	shalt  }
0x44: {  	_ =	shalt  }
0x45: {  	_ =	shalt  }
0x46: {  	_ =	shalt  }
0x47: {  	_ =	shalt  }
0x48: {  	_ =	shalt  }
0x49: {  	_ =	shalt  }
0x4a: {  	_ =	shalt  }
0x4b: {  	_ =	shalt  }
0x4c: {  	_ =	shalt  }
0x4d: {  	_ =	shalt  }
0x4e: {  	_ =	shalt  }
0x4f: {  	_ =	shalt  }
0x50: {  	_ =	shalt  }
0x51: {  	_ =	shalt  }
0x52: {  	_ =	shalt  }
0x53: {  	_ =	shalt  }
0x54: {  	_ =	shalt  }
0x55: {  	_ =	shalt  }
0x56: {  	_ =	shalt  }
0x57: {  	_ =	shalt  }
0x58: {  	_ =	shalt  }
0x59: {  	_ =	shalt  }
0x5a: {  	_ =	shalt  }
0x5b: {  	_ =	shalt  }
0x5c: {  	_ =	shalt  }
0x5d: {  	_ =	shalt  }
0x5e: {  	_ =	shalt  }
0x5f: {  	_ =	shalt  }
0x60: {  	_ =	shalt  }
0x61: {  	_ =	shalt  }
0x62: {  	_ =	shalt  }
0x63: {  	_ =	shalt  }
0x64: {  	_ =	shalt  }
0x65: {  	_ =	shalt  }
0x66: {  	_ =	shalt  }
0x67: {  	_ =	shalt  }
0x68: {  	_ =	shalt  }
0x69: {  	_ =	shalt  }
0x6a: {  	_ =	shalt  }
0x6b: {  	_ =	shalt  }
0x6c: {  	_ =	shalt  }
0x6d: {  	_ =	shalt  }
0x6e: {  	_ =	shalt  }
0x6f: {  	_ =	shalt  }
0x70: {  	_ =	shalt  }
0x71: {  	_ =	shalt  }
0x72: {  	_ =	shalt  }
0x73: {  	_ =	shalt  }
0x74: {  	_ =	shalt  }
0x75: {  	_ =	shalt  }
0x76: {  	_ =	shalt  }
0x77: {  	_ =	shalt  }
0x78: {  	_ =	shalt  }
0x79: {  	_ =	shalt  }
0x7a: {  	_ =	shalt  }
0x7b: {  	_ =	shalt  }
0x7c: {  	_ =	shalt  }
0x7d: {  	_ =	shalt  }
0x7e: {  	_ =	shalt  }
0x7f: {  	_ =	shalt  }
0x80: {  	_ =	shalt  }
0x81: {  	_ =	shalt  }
0x82: {  	_ =	shalt  }
0x83: {  	_ =	shalt  }
0x84: {  	_ =	shalt  }
0x85: {  	_ =	shalt  }
0x86: {  	_ =	shalt  }
0x87: {  	_ =	shalt  }
.Lfunc_end0:
.L_simem_size_0:
called_computation_lowered:
.L_overlay_start_0:
0x88: {  	s2 =	sld [smem:$0x3FD9]  }
0x89: {  	s3 =	sld [smem:$0x3FFE];
	_ =	sdelay $0x1  }
0x8a: {  	s1 =	srdreg.scid  }
0x8b: {  	s0 =	sand.u32 $0x1, s1  }
0x8c: {  	s18 =	sshll.u32 s0, $0xA;
	s2 =	sadd.s32 s3, s2  }
0x8d: {  	s2 =	sadd.s32 s2, s18  }
0x8e: {  	[smem:$0x3FC6] =	sst s2  }
0x8f: {  	_ = 	snop  }
0x90: {  	s2 =	sld [smem:$0x3FC9]  }
0x91: {  	s19 =	sld [smem:$0x3FC8]  }
0x92: {  	s4 =	sld [smem:$0x3FD0];
	(tm) =	ssettm $0x1  }
0x93: {  	s5 =	sld [smem:$0x3FFB];
	_ =	sdelay $0x3  }
0x94: {  	_ =	strace s5  }
0x95: {  	s5 =	sld [smem:$0x3FFC];
	_ =	sdelay $0x3  }
0x96: {  	_ =	strace s5  }
0x97: {  	s5 =	sld [smem:$0x3FFD];
	_ =	sdelay $0x3  }
0x98: {  	_ =	strace s5  }
0x99: {  	_ =	strace $0x8FFFFFFF  }
0x9a: {  	s20 =	sld [smem:$0x3FDB];
	_ =	sdelay $0x1  }
0x9b: {  	s6 =	simm.s32 $_scs_section_size  }
0x9c: {  	s7 =	simm.s32 $_size__tile_overlayer_lowered;
	s8 =	simm.s32 $_tile_overlayer_lowered  }
0x9d: {  	s23 =	simm.s32 $0x1BFF;
	s22 =	sshll.u32 s8, $0x1;
	s5 =	sadd.s32 s6, s20  }
0x9e: {  	s9 =	simm.s32 $0x0;
	s21 =	sshll.u32 s7, $0x1;
	s7 =	sadd.s32 s22, s5  }
0x9f: {  	[timem:s9], [sflag:s23] =	dma.local [hbm:s7], s21  }
0xa0: {  	_ =	swait.ge [sflag:s23], s21  }
0xa1: {  	s6 =	ssub.s32 $0x0, s21;
	[sflag:s23] =	ssyncset.done $0x0  }
0xa2: {  	[sflag:s23] =	ssyncadd.s32 s6;
	_ =	sdelay $0x1  }
0xa3: {  	s24 =	simm.s32 $0x1B8B  }
0xa4: {  	_ =	swait.ge [sflag:s24], $0x1  }
0xa5: {  	[sflag:s24] =	ssyncset.done $0x0  }
0xa6: {  	s25 =	simm.s32 $0x1B8E;
	[sflag:s24] =	ssyncadd.s32 $0xFFFFFFFF  }
0xa7: {  	s26 =	simm.s32 $execute0_lowered;
	[smem:$0x3FD2] =	sst s25  }
0xa8: {  	s6 =	sshll.u32 s26, $0x1;
	_ =	strace $0x80000046;
	[dreg:$0x1] =	wrdreg $0xFFFFFFFF  }
0xa9: {  	s28 =	simm.s32 $_size_execute0_lowered;
	s5 =	sadd.s32 s5, s6;
	[dreg:$0x0] =	wrdreg $0x0  }
0xaa: {  	s6 =	sshll.u32 s28, $0x1;
	[dreg:$0x2] =	wrdreg s5  }
0xab: {  	[dreg:$0x3] =	wrdreg s6  }
0xac: {  	[dreg:$0x4] =	wrdreg $0xC0  }
0xad: {  	_ =	task [dreg:s9], $0x5FFFF  }
0xae: {  	[dreg:$0x1] =	wrdreg $0xFFFFFFFF  }
0xaf: {  	[dreg:$0x0] =	wrdreg $0x60  }
0xb0: {  	[dreg:$0x2] =	wrdreg s2  }
0xb1: {  	[dreg:$0x3] =	wrdreg s19  }
0xb2: {  	[dreg:$0x4] =	wrdreg s4  }
0xb3: {  	[dreg:$0x5] =	wrdreg $0x0  }
0xb4: {  	[dreg:$0x6] =	wrdreg $0x9  }
0xb5: {  	_ =	task.clear_ibuf [dreg:s9], $0x7FFFF;
	_ =	strace $0x90000046  }
0xb6: {  	s29 =	simm.s32 $0x9;
	_ =	strace $0x80000048  }
0xb7: {  	_ =	swait.ge [sflag:s29], $0x1  }
0xb8: {  	[sflag:s29] =	ssyncadd.s32 $0xFFFFFFFF  }
0xb9: {  	_ =	strace $0x90000048  }
0xba: {  	_ =	sfence  }
0xbb: {  	s30 =	sld [smem:$0x0];
	_ =	sdelay $0x2  }
0xbc: {  	s31 =	sshll.u32 s1, $0xD;
	s1 =	sshrl.u32 s1, $0x2  }
0xbd: {  	s3 =	sand.u32 $0x4000, s31;
	s1 =	sadd.s32 s1, s30  }
0xbe: {  	s0 =	sor.u32 s3, s0;
	s1 =	sshll.u32 s1, $0x11  }
0xbf: {  	s0 =	sor.u32 s1, s0  }
0xc0: {  	s0 =	sadd.s32 $0x8F2B, s0  }
0xc1: {  	[sflag:s0] =	ssyncadd.remote.s32 $0x1  }
0xc2: {  	_ =	sfence.sel $0xFFFF  }
0xc3: {  	[dreg:$0x0] =	wrdreg $0xFFFFFFFF;
	(pc) =	sbr.abs _section_cstart, $3  }
0xc4: {  	[dreg:$0x1] =	wrdreg $0xFFFFFFFF  }
0xc5: {  	_ =	task.clear_ibuf [dreg:s9], $0x2FFFF;
	_ =	strace $0x9FFFFFFF  }
0xc6: {  	(tm) =	ssettm $0x7FFFFFFF  }
0xc7: {  	_ =	shalt  }
tec
execute0_lowered:
.L_overlay_start_1:
0x0: {  	(tag) =	ssettag $0x1  }
0x1: {  	s0 =	srdreg.scid;
	s10 =	rddreg [dreg:$0x1]  }
0x2: {  	s1 =	stileid.u32;
	s5 =	rddreg [dreg:$0x2]  }
0x3: {  	s3 =	rddreg [dreg:$0x3];
	s4 =	simm.s32 $0x0;
	s13 =	simm.s32 $0x8C0  }
0x4: {  	s14 =	simm.s32 $0x5;
	s15 =	simm.s32 $0x80;
	s17 =	simm.s32 $0x90C0  }
0x5: {  	s19 =	simm.s32 $0xD0C0;
	s20 =	simm.s32 $0x1;
	s28 =	simm.s32 $0x4  }
0x6: {  	s29 =	simm.s32 $0xC40;
	s30 =	simm.s32 $0xCC0;
	s31 =	simm.s32 $0xD40  }
0x7: {  	s12 =	simm.s32 $0xEC0;
	s0 =	sand.u32 $0x1, s0;
	s6 =	smul.u32 $0x32000, s1  }
0x8: {  	s2 =	sshll.u32 s1, $0x1;
	[smem:$0x7FF] =	sst s4;
	s24 =	smul.u32 $0x320000, s1  }
0x9: {  	p0 =	sne.s32 s1, $0x0;
	s2 =	sor.u32 s0, s2;
	s7 =	smul.u32 $0x19000, s0  }
0xa: {  	_ =	strace $0x80000047;
	s8 =	ssub.s32 $0x2, s0;
	s0 =	smul.u32 $0x190000, s0  }
0xb: {  	s2 =	smul.u32 $0x19000, s2;
	s9 =	sshrl.u32 s8, $0x1;
	s26 =	sadd.s32 s24, s5  }
0xc: {  	s5 =	simm.s32 $0x0;
	s6 =	sadd.s32 s7, s6;
	s21 =	ssub.s32 s8, s9  }
0xd: {  	s9 =	simm.s32 $0x6;
	s2 =	sshrl.u32 s2, $0x3;
	s23 =	sadd.s32 $0x1800, s6  }
0xe: {  	s7 =	smax.u32 s21, $0x1;
	s25 =	sadd.s32 $0x1000, s6;
	s21 =	simm.s32 $0x10C0  }
0xf: {  	s6 =	simm.s32 $0xF40;
	s22 =	sadd.s32 s10, s2;
	[dreg:$0x7] =	wrdreg s7  }
0x10: {  	s2 =	sshrl.u32 s23, $0x3;
	[dreg:$0x9] =	wrdreg s25;
	s23 =	simm.s32 $0x3  }
.Ltmp0:
0x11: {  	[dreg:$0x5] =	wrdreg s22;
	s8 =	sadd.s32 $0x100, s22;
	(pc) =	sbr.rel .LBB2_1-.Ltmp0, $4  }
0x12: {  	s7 =	simm.s32 $0xFC0;
	s2 =	sadd.s32 s2, s10;
	[dreg:$0x6] =	wrdreg s8  }
0x13: {  	s10 =	sadd.s32 s0, s26;
	s0 =	sshrl.u32 @!p0 s3, $0x3;
	[dreg:$0x8] =	wrdreg s2  }
0x14: {  	s22 =	simm.s32 $0x2;
	s26 =	simm.s32 $0x50C0;
	[dreg:$0xa] =	wrdreg s0  }
0x15: {  	s2 =	simm.s32 $0xDC0;
	s0 =	simm.s32 $0xE40;
	s8 =	simm.s32 $0x1040  }
.LBB2_4:
0x16: {  	_ =	swait.ge [sflag:s23], $0x8000  }
0x17: {  	[sflag:s23] =	ssyncset.done $0x0  }
0x18: {  	[sflag:s23] =	ssyncadd.s32 $0xFFFF8000  }
0x19: {  	_ =	swait.ge [sflag:s28], $0x8000  }
0x1a: {  	s5 =	rddreg [dreg:$0xb]  }
0x1b: {  	s1 =	rddreg [dreg:$0x7];
	s5 =	sadd.s32 $0x1, s5  }
0x1c: {  	p1 =	sne.s32 s5, s1  }
.Ltmp1:
0x1d: {  	_ = 	snop;
	(pc) =	sbr.rel @!p1 .LBB2_5-.Ltmp1, $3  }
0x1e: {  	_ =	sdelay $0x1  }
0x1f: {  	[sflag:s28] =	ssyncset.done $0x0  }
0x20: {  	[sflag:s28] =	ssyncadd.s32 $0xFFFF8000  }
.LBB2_1:
0x21: {  	[dreg:$0xb] =	wrdreg s5  }
0x22: {  	s5 =	rddreg [dreg:$0x0]  }
0x23: {  	s1 =	simm.s32 @!p0 $0x1C07;
	s11 =	rddreg [dreg:$0xa]  }
0x24: {  	[spmem:s11], [sflag:s1] =	dma.local @!p0 [hbm:s5], $0x180  }
0x25: {  	s1 =	simm.s32 @!p0 $0x7  }
0x26: {  	_ =	swait.ge @!p0 [sflag:s1], $0x180  }
0x27: {  	[sflag:s1] =	ssyncset.done @!p0 $0x0  }
0x28: {  	[sflag:s1] =	ssyncadd.s32 @!p0 $0xFFFFFE80  }
0x29: {  	[bflag:$0x0] =	sbarrier.arrive $0xFFFF  }
0x2a: {  	s18 =	rddreg [dreg:$0x5]  }
0x2b: {  	s25 =	rddreg [dreg:$0x6]  }
0x2c: {  	s24 =	simm.s32 $0xC0;
	s5 =	rddreg [dreg:$0x9]  }
0x2d: {  	[tilespmem:s24], [sflag:$0x5] =	stream.linear.gather [hbm4b:s18+s4], $0x800, $0x38;
	[tilespmem:$0x110C0] =	vst v63  }
0x2e: {  	s1 =	simm.s32 $0x0;
	s11 =	rddreg [dreg:$0x8]  }
0x2f: {  	[tilespmem:s13], [sflag:$0x6] =	stream.linear.gather [hbm4b:s25+s4], $0x800, $0x38;
	[tilespmem:$0x110C0] =	vst v63  }
.LBB2_2:
0x30: {  	_ =	swait.ge [sflag:s14], $0x800  }
0x31: {  	p1 =	sne.s32 s1, $0x0;
	[sflag:s14] =	ssyncset.done $0x0  }
0x32: {  	s16 =	simm.s32 @p1 $0x3;
	[sflag:s14] =	ssyncadd.s32 $0xFFFFF800  }
0x33: {  	_ =	swait.ge @p1 [sflag:s16], $0x8000  }
0x34: {  	s18 =	simm.s32 @p1 $0xC0;
	[sflag:s16] =	ssyncset.done @p1 $0x0  }
0x35: {  	s24 =	simm.s32 @p1 $0x10C0;
	[sflag:s16] =	ssyncadd.s32 @p1 $0xFFFF8000;
	s16 =	simm.s32 @p1 $0x80  }
0x36: {  	[tilespmem:s24], [sflag:$0x1] =	stream.indirect.gather @p1 [spmem:s3], $0x80, s18, s16, $0xb8;
	[tilespmem:$0x110C0] =	vst v63  }
0x37: {  	s18 =	simm.s32 @p1 $0x140;
	s24 =	simm.s32 @p1 $0x50C0  }
0x38: {  	[tilespmem:s24], [sflag:$0x1] =	stream.indirect.gather @p1 [spmem:s3], $0x80, s18, s16, $0xb8;
	[tilespmem:$0x110C0] =	vst v63  }
0x39: {  	s16 =	simm.s32 @p1 $0x4  }
0x3a: {  	_ =	swait.ge @p1 [sflag:s16], $0x8000  }
0x3b: {  	s18 =	simm.s32 @!p1 $0xC0;
	[sflag:s16] =	ssyncset.done @p1 $0x0  }
0x3c: {  	s24 =	simm.s32 @!p1 $0x10C0;
	[sflag:s16] =	ssyncadd.s32 @p1 $0xFFFF8000;
	s16 =	simm.s32 @!p1 $0x80  }
0x3d: {  	[tilespmem:s24], [sflag:$0x1] =	stream.indirect.gather @!p1 [spmem:s3], $0x80, s18, s16, $0xb8;
	[tilespmem:$0x110C0] =	vst v63  }
0x3e: {  	s18 =	simm.s32 @!p1 $0x140;
	s24 =	simm.s32 @!p1 $0x50C0  }
0x3f: {  	[tilespmem:s24], [sflag:$0x1] =	stream.indirect.gather @!p1 [spmem:s3], $0x80, s18, s16, $0xb8;
	[tilespmem:$0x110C0] =	vst v63  }
0x40: {  	s25 =	simm.s32 $0x1C0  }
0x41: {  	[tilespmem:s17], [sflag:$0x2] =	stream.indirect.gather [spmem:s3], $0x80, s25, s15, $0xb8;
	[tilespmem:$0x110C0] =	vst v63  }
0x42: {  	s18 =	simm.s32 $0x240  }
0x43: {  	[tilespmem:s19], [sflag:$0x2] =	stream.indirect.gather [spmem:s3], $0x80, s18, s15, $0xb8;
	[tilespmem:$0x110C0] =	vst v63  }
0x44: {  	_ =	swait.ge [sflag:s20], $0x4000  }
0x45: {  	[sflag:s20] =	ssyncset.done $0x0  }
0x46: {  	[sflag:s20] =	ssyncadd.s32 $0xFFFFC000  }
0x47: {  	_ =	swait.ge [sflag:s20], $0x4000  }
0x48: {  	[sflag:s20] =	ssyncset.done $0x0  }
0x49: {  	s16 =	sadd.s32 s1, s10;
	[sflag:s20] =	ssyncadd.s32 $0xFFFFC000  }
0x4a: {  	[hbm4b:s16+s4] =	stream.linear.scatter [tilespmem:s21], [sflag:$0x3], $0x8000, $0x38;
	[tilespmem:$0x110C0] =	vst v63  }
0x4b: {  	_ =	swait.ge [sflag:s22], $0x4000  }
0x4c: {  	[sflag:s22] =	ssyncset.done $0x0  }
0x4d: {  	[sflag:s22] =	ssyncadd.s32 $0xFFFFC000  }
0x4e: {  	_ =	swait.ge [sflag:s22], $0x4000  }
0x4f: {  	[sflag:s22] =	ssyncset.done $0x0  }
0x50: {  	s24 =	sadd.s32 $0x1000, s16;
	[sflag:s22] =	ssyncadd.s32 $0xFFFFC000  }
0x51: {  	[hbm4b:s24+s4] =	stream.linear.scatter [tilespmem:s17], [sflag:$0x4], $0x8000, $0x38;
	[tilespmem:$0x110C0] =	vst v63  }
0x52: {  	_ =	swait.ge [sflag:s23], $0x8000  }
0x53: {  	[sflag:s23] =	ssyncset.done $0x0  }
0x54: {  	s25 =	simm.s32 $0x2C0;
	[sflag:s23] =	ssyncadd.s32 $0xFFFF8000  }
0x55: {  	[tilespmem:s21], [sflag:$0x1] =	stream.indirect.gather [spmem:s3], $0x80, s25, s15, $0xb8;
	[tilespmem:$0x110C0] =	vst v63  }
0x56: {  	s24 =	simm.s32 $0x340  }
0x57: {  	[tilespmem:s26], [sflag:$0x1] =	stream.indirect.gather [spmem:s3], $0x80, s24, s15, $0xb8;
	[tilespmem:$0x110C0] =	vst v63  }
0x58: {  	_ =	swait.ge [sflag:s28], $0x8000  }
0x59: {  	[sflag:s28] =	ssyncset.done $0x0  }
0x5a: {  	s25 =	simm.s32 $0x3C0;
	[sflag:s28] =	ssyncadd.s32 $0xFFFF8000  }
0x5b: {  	[tilespmem:s17], [sflag:$0x2] =	stream.indirect.gather [spmem:s3], $0x80, s25, s15, $0xb8;
	[tilespmem:$0x110C0] =	vst v63  }
0x5c: {  	s24 =	simm.s32 $0x440  }
0x5d: {  	[tilespmem:s19], [sflag:$0x2] =	stream.indirect.gather [spmem:s3], $0x80, s24, s15, $0xb8;
	[tilespmem:$0x110C0] =	vst v63  }
0x5e: {  	_ =	swait.ge [sflag:s20], $0x4000  }
0x5f: {  	[sflag:s20] =	ssyncset.done $0x0  }
0x60: {  	[sflag:s20] =	ssyncadd.s32 $0xFFFFC000  }
0x61: {  	_ =	swait.ge [sflag:s20], $0x4000  }
0x62: {  	[sflag:s20] =	ssyncset.done $0x0  }
0x63: {  	s25 =	sadd.s32 $0x2000, s16;
	[sflag:s20] =	ssyncadd.s32 $0xFFFFC000  }
0x64: {  	[hbm4b:s25+s4] =	stream.linear.scatter [tilespmem:s21], [sflag:$0x3], $0x8000, $0x38;
	[tilespmem:$0x110C0] =	vst v63  }
0x65: {  	_ =	swait.ge [sflag:s22], $0x4000  }
0x66: {  	[sflag:s22] =	ssyncset.done $0x0  }
0x67: {  	[sflag:s22] =	ssyncadd.s32 $0xFFFFC000  }
0x68: {  	_ =	swait.ge [sflag:s22], $0x4000  }
0x69: {  	[sflag:s22] =	ssyncset.done $0x0  }
0x6a: {  	s24 =	sadd.s32 $0x3000, s16;
	[sflag:s22] =	ssyncadd.s32 $0xFFFFC000  }
0x6b: {  	[hbm4b:s24+s4] =	stream.linear.scatter [tilespmem:s17], [sflag:$0x4], $0x8000, $0x38;
	[tilespmem:$0x110C0] =	vst v63  }
0x6c: {  	_ =	swait.ge [sflag:s23], $0x8000  }
0x6d: {  	[sflag:s23] =	ssyncset.done $0x0  }
0x6e: {  	s25 =	simm.s32 $0x4C0;
	[sflag:s23] =	ssyncadd.s32 $0xFFFF8000  }
0x6f: {  	[tilespmem:s21], [sflag:$0x1] =	stream.indirect.gather [spmem:s3], $0x80, s25, s15, $0xb8;
	[tilespmem:$0x110C0] =	vst v63  }
0x70: {  	s24 =	simm.s32 $0x540  }
0x71: {  	[tilespmem:s26], [sflag:$0x1] =	stream.indirect.gather [spmem:s3], $0x80, s24, s15, $0xb8;
	[tilespmem:$0x110C0] =	vst v63  }
0x72: {  	_ =	swait.ge [sflag:s28], $0x8000  }
0x73: {  	[sflag:s28] =	ssyncset.done $0x0  }
0x74: {  	s25 =	simm.s32 $0x5C0;
	[sflag:s28] =	ssyncadd.s32 $0xFFFF8000  }
0x75: {  	[tilespmem:s17], [sflag:$0x2] =	stream.indirect.gather [spmem:s3], $0x80, s25, s15, $0xb8;
	[tilespmem:$0x110C0] =	vst v63  }
0x76: {  	s24 =	simm.s32 $0x640  }
0x77: {  	[tilespmem:s19], [sflag:$0x2] =	stream.indirect.gather [spmem:s3], $0x80, s24, s15, $0xb8;
	[tilespmem:$0x110C0] =	vst v63  }
0x78: {  	_ =	swait.ge [sflag:s20], $0x4000  }
0x79: {  	[sflag:s20] =	ssyncset.done $0x0  }
0x7a: {  	[sflag:s20] =	ssyncadd.s32 $0xFFFFC000  }
0x7b: {  	_ =	swait.ge [sflag:s20], $0x4000  }
0x7c: {  	[sflag:s20] =	ssyncset.done $0x0  }
0x7d: {  	s25 =	sadd.s32 $0x4000, s16;
	[sflag:s20] =	ssyncadd.s32 $0xFFFFC000  }
0x7e: {  	[hbm4b:s25+s4] =	stream.linear.scatter [tilespmem:s21], [sflag:$0x3], $0x8000, $0x38;
	[tilespmem:$0x110C0] =	vst v63  }
0x7f: {  	_ =	swait.ge [sflag:s22], $0x4000  }
0x80: {  	[sflag:s22] =	ssyncset.done $0x0  }
0x81: {  	[sflag:s22] =	ssyncadd.s32 $0xFFFFC000  }
0x82: {  	_ =	swait.ge [sflag:s22], $0x4000  }
0x83: {  	[sflag:s22] =	ssyncset.done $0x0  }
0x84: {  	s24 =	sadd.s32 $0x5000, s16;
	[sflag:s22] =	ssyncadd.s32 $0xFFFFC000  }
0x85: {  	[hbm4b:s24+s4] =	stream.linear.scatter [tilespmem:s17], [sflag:$0x4], $0x8000, $0x38;
	[tilespmem:$0x110C0] =	vst v63  }
0x86: {  	_ =	swait.ge [sflag:s23], $0x8000  }
0x87: {  	[sflag:s23] =	ssyncset.done $0x0  }
0x88: {  	s25 =	simm.s32 $0x6C0;
	[sflag:s23] =	ssyncadd.s32 $0xFFFF8000  }
0x89: {  	[tilespmem:s21], [sflag:$0x1] =	stream.indirect.gather [spmem:s3], $0x80, s25, s15, $0xb8;
	[tilespmem:$0x110C0] =	vst v63  }
0x8a: {  	s24 =	simm.s32 $0x740  }
0x8b: {  	[tilespmem:s26], [sflag:$0x1] =	stream.indirect.gather [spmem:s3], $0x80, s24, s15, $0xb8;
	[tilespmem:$0x110C0] =	vst v63  }
0x8c: {  	_ =	swait.ge [sflag:s28], $0x8000  }
0x8d: {  	[sflag:s28] =	ssyncset.done $0x0  }
0x8e: {  	s25 =	simm.s32 $0x7C0;
	[sflag:s28] =	ssyncadd.s32 $0xFFFF8000  }
0x8f: {  	[tilespmem:s17], [sflag:$0x2] =	stream.indirect.gather [spmem:s3], $0x80, s25, s15, $0xb8;
	[tilespmem:$0x110C0] =	vst v63  }
0x90: {  	s24 =	simm.s32 $0x840  }
0x91: {  	[tilespmem:s19], [sflag:$0x2] =	stream.indirect.gather [spmem:s3], $0x80, s24, s15, $0xb8;
	[tilespmem:$0x110C0] =	vst v63  }
0x92: {  	_ =	swait.ge [sflag:s20], $0x4000  }
0x93: {  	[sflag:s20] =	ssyncset.done $0x0  }
0x94: {  	[sflag:s20] =	ssyncadd.s32 $0xFFFFC000  }
0x95: {  	_ =	swait.ge [sflag:s20], $0x4000  }
0x96: {  	[sflag:s20] =	ssyncset.done $0x0  }
0x97: {  	s25 =	sadd.s32 $0x6000, s16;
	[sflag:s20] =	ssyncadd.s32 $0xFFFFC000  }
0x98: {  	[hbm4b:s25+s4] =	stream.linear.scatter [tilespmem:s21], [sflag:$0x3], $0x8000, $0x38;
	[tilespmem:$0x110C0] =	vst v63  }
0x99: {  	_ =	swait.ge [sflag:s22], $0x4000  }
0x9a: {  	[sflag:s22] =	ssyncset.done $0x0  }
0x9b: {  	[sflag:s22] =	ssyncadd.s32 $0xFFFFC000  }
0x9c: {  	_ =	swait.ge [sflag:s22], $0x4000  }
0x9d: {  	[sflag:s22] =	ssyncset.done $0x0  }
0x9e: {  	p1 =	seq.s32 s1, $0x180000;
	s24 =	sadd.s32 $0x7000, s16;
	[sflag:s22] =	ssyncadd.s32 $0xFFFFC000  }
0x9f: {  	[hbm4b:s24+s4] =	stream.linear.scatter [tilespmem:s17], [sflag:$0x4], $0x8000, $0x38;
	[tilespmem:$0x110C0] =	vst v63  }
0xa0: {  	s18 =	sshrl.u32 @!p1 s5, $0x3;
	s24 =	rddreg [dreg:$0x1]  }
0xa1: {  	s25 =	simm.s32 @!p1 $0xC0;
	s18 =	sadd.s32 @!p1 s24, s18;
	s24 =	simm.s32 @!p1 $0x0  }
0xa2: {  	[tilespmem:s25], [sflag:$0x5] =	stream.linear.gather @!p1 [hbm4b:s18+s24], $0x800, $0x38;
	[tilespmem:$0x110C0] =	vst v63  }
0xa3: {  	_ =	swait.ge [sflag:s9], $0x800  }
0xa4: {  	[sflag:s9] =	ssyncset.done $0x0  }
0xa5: {  	[sflag:s9] =	ssyncadd.s32 $0xFFFFF800  }
0xa6: {  	_ =	swait.ge [sflag:s23], $0x8000  }
0xa7: {  	[sflag:s23] =	ssyncset.done $0x0  }
0xa8: {  	[sflag:s23] =	ssyncadd.s32 $0xFFFF8000  }
0xa9: {  	[tilespmem:s21], [sflag:$0x1] =	stream.indirect.gather [spmem:s3], $0x80, s13, s15, $0xb8;
	[tilespmem:$0x110C0] =	vst v63  }
0xaa: {  	s25 =	simm.s32 $0x940  }
0xab: {  	[tilespmem:s26], [sflag:$0x1] =	stream.indirect.gather [spmem:s3], $0x80, s25, s15, $0xb8;
	[tilespmem:$0x110C0] =	vst v63  }
0xac: {  	_ =	swait.ge [sflag:s28], $0x8000  }
0xad: {  	[sflag:s28] =	ssyncset.done $0x0  }
0xae: {  	s24 =	simm.s32 $0x9C0;
	[sflag:s28] =	ssyncadd.s32 $0xFFFF8000  }
0xaf: {  	[tilespmem:s17], [sflag:$0x2] =	stream.indirect.gather [spmem:s3], $0x80, s24, s15, $0xb8;
	[tilespmem:$0x110C0] =	vst v63  }
0xb0: {  	s25 =	simm.s32 $0xA40  }
0xb1: {  	[tilespmem:s19], [sflag:$0x2] =	stream.indirect.gather [spmem:s3], $0x80, s25, s15, $0xb8;
	[tilespmem:$0x110C0] =	vst v63  }
0xb2: {  	_ =	swait.ge [sflag:s20], $0x4000  }
0xb3: {  	[sflag:s20] =	ssyncset.done $0x0  }
0xb4: {  	[sflag:s20] =	ssyncadd.s32 $0xFFFFC000  }
0xb5: {  	_ =	swait.ge [sflag:s20], $0x4000  }
0xb6: {  	[sflag:s20] =	ssyncset.done $0x0  }
0xb7: {  	s24 =	sadd.s32 $0x8000, s16;
	[sflag:s20] =	ssyncadd.s32 $0xFFFFC000  }
0xb8: {  	[hbm4b:s24+s4] =	stream.linear.scatter [tilespmem:s21], [sflag:$0x3], $0x8000, $0x38;
	[tilespmem:$0x110C0] =	vst v63  }
0xb9: {  	_ =	swait.ge [sflag:s22], $0x4000  }
0xba: {  	[sflag:s22] =	ssyncset.done $0x0  }
0xbb: {  	[sflag:s22] =	ssyncadd.s32 $0xFFFFC000  }
0xbc: {  	_ =	swait.ge [sflag:s22], $0x4000  }
0xbd: {  	[sflag:s22] =	ssyncset.done $0x0  }
0xbe: {  	s25 =	sadd.s32 $0x9000, s16;
	[sflag:s22] =	ssyncadd.s32 $0xFFFFC000  }
0xbf: {  	[hbm4b:s25+s4] =	stream.linear.scatter [tilespmem:s17], [sflag:$0x4], $0x8000, $0x38;
	[tilespmem:$0x110C0] =	vst v63  }
0xc0: {  	_ =	swait.ge [sflag:s23], $0x8000  }
0xc1: {  	[sflag:s23] =	ssyncset.done $0x0  }
0xc2: {  	s24 =	simm.s32 $0xAC0;
	[sflag:s23] =	ssyncadd.s32 $0xFFFF8000  }
0xc3: {  	[tilespmem:s21], [sflag:$0x1] =	stream.indirect.gather [spmem:s3], $0x80, s24, s15, $0xb8;
	[tilespmem:$0x110C0] =	vst v63  }
0xc4: {  	s25 =	simm.s32 $0xB40  }
0xc5: {  	[tilespmem:s26], [sflag:$0x1] =	stream.indirect.gather [spmem:s3], $0x80, s25, s15, $0xb8;
	[tilespmem:$0x110C0] =	vst v63  }
0xc6: {  	_ =	swait.ge [sflag:s28], $0x8000  }
0xc7: {  	[sflag:s28] =	ssyncset.done $0x0  }
0xc8: {  	s24 =	simm.s32 $0xBC0;
	[sflag:s28] =	ssyncadd.s32 $0xFFFF8000  }
0xc9: {  	[tilespmem:s17], [sflag:$0x2] =	stream.indirect.gather [spmem:s3], $0x80, s24, s15, $0xb8;
	[tilespmem:$0x110C0] =	vst v63  }
0xca: {  	_ = 	snop  }
0xcb: {  	[tilespmem:s19], [sflag:$0x2] =	stream.indirect.gather [spmem:s3], $0x80, s29, s15, $0xb8;
	[tilespmem:$0x110C0] =	vst v63  }
0xcc: {  	_ =	swait.ge [sflag:s20], $0x4000  }
0xcd: {  	[sflag:s20] =	ssyncset.done $0x0  }
0xce: {  	[sflag:s20] =	ssyncadd.s32 $0xFFFFC000  }
0xcf: {  	_ =	swait.ge [sflag:s20], $0x4000  }
0xd0: {  	[sflag:s20] =	ssyncset.done $0x0  }
0xd1: {  	s25 =	sadd.s32 $0xA000, s16;
	[sflag:s20] =	ssyncadd.s32 $0xFFFFC000  }
0xd2: {  	[hbm4b:s25+s4] =	stream.linear.scatter [tilespmem:s21], [sflag:$0x3], $0x8000, $0x38;
	[tilespmem:$0x110C0] =	vst v63  }
0xd3: {  	_ =	swait.ge [sflag:s22], $0x4000  }
0xd4: {  	[sflag:s22] =	ssyncset.done $0x0  }
0xd5: {  	[sflag:s22] =	ssyncadd.s32 $0xFFFFC000  }
0xd6: {  	_ =	swait.ge [sflag:s22], $0x4000  }
0xd7: {  	[sflag:s22] =	ssyncset.done $0x0  }
0xd8: {  	s24 =	sadd.s32 $0xB000, s16;
	[sflag:s22] =	ssyncadd.s32 $0xFFFFC000  }
0xd9: {  	[hbm4b:s24+s4] =	stream.linear.scatter [tilespmem:s17], [sflag:$0x4], $0x8000, $0x38;
	[tilespmem:$0x110C0] =	vst v63  }
0xda: {  	_ =	swait.ge [sflag:s23], $0x8000  }
0xdb: {  	[sflag:s23] =	ssyncset.done $0x0  }
0xdc: {  	[sflag:s23] =	ssyncadd.s32 $0xFFFF8000  }
0xdd: {  	[tilespmem:s21], [sflag:$0x1] =	stream.indirect.gather [spmem:s3], $0x80, s30, s15, $0xb8;
	[tilespmem:$0x110C0] =	vst v63  }
0xde: {  	_ = 	snop  }
0xdf: {  	[tilespmem:s26], [sflag:$0x1] =	stream.indirect.gather [spmem:s3], $0x80, s31, s15, $0xb8;
	[tilespmem:$0x110C0] =	vst v63  }
0xe0: {  	_ =	swait.ge [sflag:s28], $0x8000  }
0xe1: {  	[sflag:s28] =	ssyncset.done $0x0  }
0xe2: {  	[sflag:s28] =	ssyncadd.s32 $0xFFFF8000  }
0xe3: {  	[tilespmem:s17], [sflag:$0x2] =	stream.indirect.gather [spmem:s3], $0x80, s2, s15, $0xb8;
	[tilespmem:$0x110C0] =	vst v63  }
0xe4: {  	_ = 	snop  }
0xe5: {  	[tilespmem:s19], [sflag:$0x2] =	stream.indirect.gather [spmem:s3], $0x80, s0, s15, $0xb8;
	[tilespmem:$0x110C0] =	vst v63  }
0xe6: {  	_ =	swait.ge [sflag:s20], $0x4000  }
0xe7: {  	[sflag:s20] =	ssyncset.done $0x0  }
0xe8: {  	[sflag:s20] =	ssyncadd.s32 $0xFFFFC000  }
0xe9: {  	_ =	swait.ge [sflag:s20], $0x4000  }
0xea: {  	[sflag:s20] =	ssyncset.done $0x0  }
0xeb: {  	s25 =	sadd.s32 $0xC000, s16;
	[sflag:s20] =	ssyncadd.s32 $0xFFFFC000  }
0xec: {  	[hbm4b:s25+s4] =	stream.linear.scatter [tilespmem:s21], [sflag:$0x3], $0x8000, $0x38;
	[tilespmem:$0x110C0] =	vst v63  }
0xed: {  	_ =	swait.ge [sflag:s22], $0x4000  }
0xee: {  	[sflag:s22] =	ssyncset.done $0x0  }
0xef: {  	[sflag:s22] =	ssyncadd.s32 $0xFFFFC000  }
0xf0: {  	_ =	swait.ge [sflag:s22], $0x4000  }
0xf1: {  	[sflag:s22] =	ssyncset.done $0x0  }
0xf2: {  	s24 =	sadd.s32 $0xD000, s16;
	[sflag:s22] =	ssyncadd.s32 $0xFFFFC000  }
0xf3: {  	[hbm4b:s24+s4] =	stream.linear.scatter [tilespmem:s17], [sflag:$0x4], $0x8000, $0x38;
	[tilespmem:$0x110C0] =	vst v63  }
0xf4: {  	_ =	swait.ge [sflag:s23], $0x8000  }
0xf5: {  	[sflag:s23] =	ssyncset.done $0x0  }
0xf6: {  	[sflag:s23] =	ssyncadd.s32 $0xFFFF8000  }
0xf7: {  	[tilespmem:s21], [sflag:$0x1] =	stream.indirect.gather [spmem:s3], $0x80, s12, s15, $0xb8;
	[tilespmem:$0x110C0] =	vst v63  }
0xf8: {  	_ = 	snop  }
0xf9: {  	[tilespmem:s26], [sflag:$0x1] =	stream.indirect.gather [spmem:s3], $0x80, s6, s15, $0xb8;
	[tilespmem:$0x110C0] =	vst v63  }
0xfa: {  	_ =	swait.ge [sflag:s28], $0x8000  }
0xfb: {  	[sflag:s28] =	ssyncset.done $0x0  }
0xfc: {  	[sflag:s28] =	ssyncadd.s32 $0xFFFF8000  }
0xfd: {  	[tilespmem:s17], [sflag:$0x2] =	stream.indirect.gather [spmem:s3], $0x80, s7, s15, $0xb8;
	[tilespmem:$0x110C0] =	vst v63  }
0xfe: {  	_ = 	snop  }
0xff: {  	[tilespmem:s19], [sflag:$0x2] =	stream.indirect.gather [spmem:s3], $0x80, s8, s15, $0xb8;
	[tilespmem:$0x110C0] =	vst v63  }
0x100: {  	_ =	swait.ge [sflag:s20], $0x4000  }
0x101: {  	[sflag:s20] =	ssyncset.done $0x0  }
0x102: {  	[sflag:s20] =	ssyncadd.s32 $0xFFFFC000  }
0x103: {  	_ =	swait.ge [sflag:s20], $0x4000  }
0x104: {  	[sflag:s20] =	ssyncset.done $0x0  }
0x105: {  	s25 =	sadd.s32 $0xE000, s16;
	[sflag:s20] =	ssyncadd.s32 $0xFFFFC000  }
0x106: {  	[hbm4b:s25+s4] =	stream.linear.scatter [tilespmem:s21], [sflag:$0x3], $0x8000, $0x38;
	[tilespmem:$0x110C0] =	vst v63  }
0x107: {  	_ =	swait.ge [sflag:s22], $0x4000  }
0x108: {  	[sflag:s22] =	ssyncset.done $0x0  }
.Ltmp2:
0x109: {  	[sflag:s22] =	ssyncadd.s32 $0xFFFFC000;
	(pc) =	sbr.rel @p1 .LBB2_4-.Ltmp2, $4  }
0x10a: {  	_ =	swait.ge [sflag:s22], $0x4000  }
0x10b: {  	[sflag:s22] =	ssyncset.done $0x0  }
0x10c: {  	s16 =	sadd.s32 $0xF000, s16;
	[sflag:s22] =	ssyncadd.s32 $0xFFFFC000  }
0x10d: {  	[hbm4b:s16+s4] =	stream.linear.scatter [tilespmem:s17], [sflag:$0x4], $0x8000, $0x38;
	[tilespmem:$0x110C0] =	vst v63  }
.Ltmp3:
0x10e: {  	(pc) =	sbr.rel .LBB2_2-.Ltmp3, $3  }
0x10f: {  	_ =	sdelay $0x1  }
0x110: {  	[tilespmem:s13], [sflag:$0x6] =	stream.linear.gather [hbm4b:s11+s4], $0x800, $0x38;
	[tilespmem:$0x110C0] =	vst v63  }
0x111: {  	s1 =	sadd.s32 $0x10000, s1;
	s11 =	sadd.s32 $0x200, s11;
	s5 =	sadd.s32 $0x1000, s5  }
.LBB2_5:
0x112: {  	_ =	sfence.sel $0x180000  }
0x113: {  	[bflag:$0x0] =	sbarrier.arrive $0xFFFF  }
0x114: {  	_ =	strace $0x90000047  }
0x115: {  	[bflag:$0x2] =	sbarrier.arrive $0xFFFF  }
0x116: {  	s0 =	rddreg [dreg:$0x4]  }
0x117: {  	s0 =	sadd.s32 @!p0 $0x100000, s0  }
0x118: {  	[sflag:s0] =	ssyncadd.tile.s32 @!p0 $0x1;
	_ =	shalt  }
.Lfunc_end2:
_tile_overlayer_lowered:
.L_overlay_start_2:
0x119: {  	(tag) =	ssettag $0x2  }
0x11a: {  	s0 =	rddreg [dreg:$0x0];
	s2 =	stileid.u32  }
0x11b: {  	s1 =	rddreg [dreg:$0x1];
	p0 =	sne.s32 s2, $0x0  }
0x11c: {  	s3 =	rddreg [dreg:$0x2];
	[bflag:$0x3] =	sbarrier.arrive $0xFFFF;
	s2 =	simm.s32 @!p0 $0x1C07  }
0x11d: {  	[timem:s3], [sflag:s2] =	dma.local @!p0 [hbm:s0], s1  }
0x11e: {  	s0 =	simm.s32 @!p0 $0x7  }
0x11f: {  	_ =	swait.ge @!p0 [sflag:s0], s1  }
0x120: {  	s1 =	ssub.s32 @!p0 $0x0, s1;
	[sflag:s0] =	ssyncset.done @!p0 $0x0  }
0x121: {  	[sflag:s0] =	ssyncadd.s32 @!p0 s1  }
0x122: {  	[bflag:$0x3] =	sbarrier.arrive $0xFFFF  }
0x123: {  	_ =	shalt  }

</sc_bundles>
